<compile_context>
chip_gen: v7x
topology: tpu7x:2x2x1
jax: 0.10.2.dev20260603
libtpu: 0.0.44.dev20260713+nightly
codegen_flags: <defaults>
</compile_context>

<pallas_src>
import functools

import jax
import jax.numpy as jnp
from jax import lax
from jax.experimental import pallas as pl
from jax.experimental.pallas import tpu as pltpu
from jax.experimental.pallas import tpu_sc as plsc

_D = 256
_NH = 8
_NL = 4
_NP = 8
_DH = 32
_SHAPES = ((116, 200), (58, 100), (29, 50), (15, 25))
_S = sum(h * w for h, w in _SHAPES)
_LQ = 10000
_LQP = 10240
_SP = 30848
_NW = 32
_QPW = _LQP // _NW


def _vproj_body(x_ref, wt_ref, b_ref, o_ref):
    o_ref[...] = jnp.dot(x_ref[...], wt_ref[...],
                         preferred_element_type=jnp.float32) + b_ref[...]


def _qproj_body(q_ref, wofft_ref, boff_ref, wattnt_ref, battn_ref,
                off_ref, attn_ref):
    q = q_ref[...]
    off_ref[...] = jnp.dot(q, wofft_ref[...],
                           preferred_element_type=jnp.float32) + boff_ref[...]
    lg = jnp.dot(q, wattnt_ref[...],
                 preferred_element_type=jnp.float32) + battn_ref[...]
    l3 = lg.reshape(q.shape[0], _NH, _NL * _NP)
    m = jnp.max(l3, axis=-1, keepdims=True)
    e = jnp.exp(l3 - m)
    s = jnp.sum(e, axis=-1, keepdims=True)
    attn_ref[...] = (e / s).reshape(q.shape[0], _NH * _NL * _NP)


def _sc_gather_reduce(table, idxs, wtss):
    info = plsc.get_sparse_core_info()
    nc = info.num_cores

    @functools.partial(
        pl.kernel,
        mesh=plsc.VectorSubcoreMesh(core_axis_name="c", subcore_axis_name="s"),
        out_type=jax.ShapeDtypeStruct((_LQP, _D), jnp.float32),
        scratch_types=[
            pltpu.VMEM((128,), jnp.int32),
            pltpu.VMEM((128,), jnp.int32),
            pltpu.VMEM((128, 128), jnp.float32),
            pltpu.VMEM((128, 128), jnp.float32),
            pltpu.VMEM((128, 16), jnp.float32),
            pltpu.VMEM((128, 16), jnp.float32),
            pltpu.VMEM((_D,), jnp.float32),
            pltpu.SemaphoreType.DMA,
            pltpu.SemaphoreType.DMA,
        ],
    )
    def k(table_hbm, idx_hbm, wts_hbm, out_hbm,
          idx_a, idx_b, rows_a, rows_b, wts_a, wts_b, out_v, sem_a, sem_b):
        wid = lax.axis_index("s") * nc + lax.axis_index("c")
        idx_bufs = (idx_a, idx_b)
        row_bufs = (rows_a, rows_b)
        wts_bufs = (wts_a, wts_b)
        sems = (sem_a, sem_b)

        def reduce_head(h, rows_v, wts_v):
            co = (h % 4) * _DH

            def red(j, acc):
                a0, a1 = acc
                wv = wts_v[j, pl.ds(0, 16)]
                r0 = rows_v[j, pl.ds(co, 16)]
                r1 = rows_v[j, pl.ds(co + 16, 16)]
                return (a0 + wv * r0, a1 + wv * r1)

            z = jnp.zeros((16,), jnp.float32)
            a0, a1 = lax.fori_loop(0, 128, red, (z, z))
            out_v[pl.ds(h * _DH, 16)] = a0
            out_v[pl.ds(h * _DH + 16, 16)] = a1

        def per_q(t, carry):
            q = wid * _QPW + t
            pltpu.sync_copy(idx_hbm.at[q, 0], idx_bufs[0])
            pltpu.sync_copy(wts_hbm.at[q, 0], wts_bufs[0])
            cp = pltpu.async_copy(table_hbm.at[idx_bufs[0]], row_bufs[0],
                                  sems[0])
            for h in range(1, _NH):
                b, pb = h % 2, (h - 1) % 2
                pltpu.sync_copy(idx_hbm.at[q, h], idx_bufs[b])
                pltpu.sync_copy(wts_hbm.at[q, h], wts_bufs[b])
                nxt = pltpu.async_copy(table_hbm.at[idx_bufs[b]], row_bufs[b],
                                       sems[b])
                cp.wait()
                reduce_head(h - 1, row_bufs[pb], wts_bufs[pb])
                cp = nxt
            cp.wait()
            reduce_head(_NH - 1, row_bufs[(_NH - 1) % 2], wts_bufs[(_NH - 1) % 2])
            pltpu.sync_copy(out_v, out_hbm.at[q])
            return carry

        lax.fori_loop(0, _QPW, per_q, 0)

    return k(table, idxs, wtss)


def kernel(query, reference_points, input_flatten, input_spatial_shapes,
           W_off, b_off, W_attn, b_attn, W_val, b_val):
    f32 = jnp.float32

    x = jnp.zeros((_SP, _D), f32).at[:_S].set(input_flatten[0])
    value = pl.pallas_call(
        _vproj_body,
        grid=(_SP // 128,),
        in_specs=[
            pl.BlockSpec((128, _D), lambda i: (i, 0)),
            pl.BlockSpec((_D, _D), lambda i: (0, 0)),
            pl.BlockSpec((1, _D), lambda i: (0, 0)),
        ],
        out_specs=pl.BlockSpec((128, _D), lambda i: (i, 0)),
        out_shape=jax.ShapeDtypeStruct((_SP, _D), f32),
    )(x, W_val.T, b_val.reshape(1, _D))
    table = value[:_S].reshape(_S * 2, 128)

    qx = jnp.zeros((_LQP, _D), f32).at[:_LQ].set(query[0])
    noff = _NH * _NL * _NP * 2
    nattn = _NH * _NL * _NP
    off_flat, attn_flat = pl.pallas_call(
        _qproj_body,
        grid=(_LQP // 256,),
        in_specs=[
            pl.BlockSpec((256, _D), lambda i: (i, 0)),
            pl.BlockSpec((_D, noff), lambda i: (0, 0)),
            pl.BlockSpec((1, noff), lambda i: (0, 0)),
            pl.BlockSpec((_D, nattn), lambda i: (0, 0)),
            pl.BlockSpec((1, nattn), lambda i: (0, 0)),
        ],
        out_specs=[
            pl.BlockSpec((256, noff), lambda i: (i, 0)),
            pl.BlockSpec((256, nattn), lambda i: (i, 0)),
        ],
        out_shape=[
            jax.ShapeDtypeStruct((_LQP, noff), f32),
            jax.ShapeDtypeStruct((_LQP, nattn), f32),
        ],
    )(qx, W_off.T, b_off.reshape(1, noff), W_attn.T, b_attn.reshape(1, nattn))

    nz = reference_points.shape[2]
    norm = input_spatial_shapes[:, ::-1].astype(f32)
    off = off_flat[:_LQ].reshape(_LQ, _NH, _NL, _NP // nz, nz, 2)
    off = off / norm[None, None, :, None, None, :]
    loc = reference_points[0][:, None, None, None, :, :] + off
    loc = loc.reshape(_LQ, _NH, _NL, _NP, 2)
    attn = attn_flat[:_LQ].reshape(_LQ, _NH, _NL, _NP)

    Wv = jnp.asarray([w for _, w in _SHAPES], f32)[None, None, :, None]
    Hv = jnp.asarray([h for h, _ in _SHAPES], f32)[None, None, :, None]
    bases = []
    acc = 0
    for h_, w_ in _SHAPES:
        bases.append(acc)
        acc += h_ * w_
    base = jnp.asarray(bases, jnp.int32)[None, None, :, None]
    Wi = Wv.astype(jnp.int32)
    gx = loc[..., 0] * Wv - 0.5
    gy = loc[..., 1] * Hv - 0.5
    x0 = jnp.floor(gx)
    y0 = jnp.floor(gy)
    fx = gx - x0
    fy = gy - y0
    hidx = jnp.arange(_NH, dtype=jnp.int32)[None, :, None, None]

    idx_c, wts_c = [], []
    for dx, dy in ((0, 0), (1, 0), (0, 1), (1, 1)):
        xc = x0 + dx
        yc = y0 + dy
        valid = ((xc >= 0) & (xc <= Wv - 1) & (yc >= 0) & (yc <= Hv - 1))
        xi = jnp.clip(xc, 0, Wv - 1).astype(jnp.int32)
        yi = jnp.clip(yc, 0, Hv - 1).astype(jnp.int32)
        row = (base + yi * Wi + xi) * 2 + hidx // 4
        wgt = ((fx if dx else 1.0 - fx) * (fy if dy else 1.0 - fy)
               * valid.astype(f32) * attn)
        idx_c.append(row)
        wts_c.append(wgt)
    idx = jnp.stack(idx_c, axis=-1).reshape(_LQ, _NH, _NL * _NP * 4)
    wts = jnp.stack(wts_c, axis=-1).reshape(_LQ, _NH, _NL * _NP * 4)
    idx = jnp.zeros((_LQP, _NH, 128), jnp.int32).at[:_LQ].set(idx)
    wts = jnp.zeros((_LQP, _NH, 128), f32).at[:_LQ].set(wts)
    wts = jnp.broadcast_to(wts[..., None], (_LQP, _NH, 128, 16))

    out = _sc_gather_reduce(table, idx, wts)
    return out[:_LQ][None]

# --- scband reference (transcript-rebuilt; emitter-appended) ---
"""Pipeline reference for scband-msdeform-attn-no-output-proj-28467043238166 (READ-ONLY COPY).

The authoritative reference and input builder live on the scoring server;
editing this copy changes nothing except your own understanding.
"""

import jax, jax.numpy as jnp
import numpy as np

D_MODEL = 256
N_LEVELS = 4
N_HEADS = 8
N_POINTS = 8
NUM_Z = 4
HEAD_DIM = D_MODEL // N_HEADS
SPATIAL_SHAPES = [(116, 200), (58, 100), (29, 50), (15, 25)]


def _grid_sample(img, grid):
    # img: (B, C, H, W); grid: (B, Hg, Wg, 2) in [-1, 1]
    # bilinear, padding_mode='zeros', align_corners=False (matches F.grid_sample defaults)
    B, C, H, W = img.shape
    gx = (grid[..., 0] + 1.0) * (W / 2.0) - 0.5
    gy = (grid[..., 1] + 1.0) * (H / 2.0) - 0.5
    x0 = jnp.floor(gx)
    y0 = jnp.floor(gy)
    x1 = x0 + 1.0
    y1 = y0 + 1.0
    wx1 = gx - x0
    wx0 = 1.0 - wx1
    wy1 = gy - y0
    wy0 = 1.0 - wy1
    flat = img.reshape(B, C, H * W)
    Hg, Wg = grid.shape[1], grid.shape[2]

    def gather(ix, iy):
        valid = (ix >= 0) & (ix <= W - 1) & (iy >= 0) & (iy <= H - 1)
        ixc = jnp.clip(ix, 0, W - 1).astype(jnp.int32)
        iyc = jnp.clip(iy, 0, H - 1).astype(jnp.int32)
        idx = (iyc * W + ixc).reshape(B, 1, Hg * Wg)
        idx = jnp.broadcast_to(idx, (B, C, Hg * Wg))
        v = jnp.take_along_axis(flat, idx, axis=2).reshape(B, C, Hg, Wg)
        return v * valid.astype(img.dtype)[:, None, :, :]

    out = (gather(x0, y0) * (wx0 * wy0)[:, None]
           + gather(x1, y0) * (wx1 * wy0)[:, None]
           + gather(x0, y1) * (wx0 * wy1)[:, None]
           + gather(x1, y1) * (wx1 * wy1)[:, None])
    return out


def _ms_deform_attn(value, shapes, sampling_locations, attention_weights):
    N, S, nH, Dh = value.shape
    _, Lq, _, nL, nP, _ = sampling_locations.shape
    out_levels = []
    start = 0
    for lvl, (H_, W_) in enumerate(shapes):
        v = value[:, start:start + H_ * W_]
        start += H_ * W_
        v = v.transpose(0, 2, 3, 1).reshape(N * nH, Dh, H_, W_)
        g = sampling_locations[:, :, :, lvl] * 2.0 - 1.0  # (N, Lq, nH, nP, 2)
        g = g.transpose(0, 2, 1, 3, 4).reshape(N * nH, Lq, nP, 2)
        out_levels.append(_grid_sample(v, g))  # (N*nH, Dh, Lq, nP)
    stacked = jnp.stack(out_levels, axis=3)  # (N*nH, Dh, Lq, nL, nP)
    attn = attention_weights.transpose(0, 2, 1, 3, 4).reshape(N * nH, 1, Lq, nL, nP)
    out = (stacked * attn).sum(axis=(3, 4))  # (N*nH, Dh, Lq)
    return out.reshape(N, nH * Dh, Lq).transpose(0, 2, 1)


def _forward(query, reference_points, input_flatten, shapes, norm, W_off, b_off, W_attn, b_attn, W_val, b_val):
    N, Lq, _ = query.shape
    D = reference_points.shape[2]
    value = (input_flatten @ W_val.T + b_val).reshape(N, -1, N_HEADS, HEAD_DIM)
    off = (query @ W_off.T + b_off).reshape(N, Lq, N_HEADS, N_LEVELS, N_POINTS, 2)
    attn = (query @ W_attn.T + b_attn).reshape(N, Lq, N_HEADS, N_LEVELS * N_POINTS)
    attn = jax.nn.softmax(attn, axis=-1).reshape(N, Lq, N_HEADS, N_LEVELS, N_POINTS)
    off = off / norm[None, None, None, :, None, :]
    off = off.reshape(N, Lq, N_HEADS, N_LEVELS, N_POINTS // D, D, 2)
    loc = (reference_points[:, :, None, None, None, :, :] + off)
    loc = loc.reshape(N, Lq, N_HEADS, N_LEVELS, N_POINTS, 2)
    return _ms_deform_attn(value, shapes, loc, attn)


def setup_inputs(seed: int = 0) -> dict:
    key = jax.random.key(seed)
    ks = jax.random.split(key, 8)
    N, Lq = 1, 10000
    S = sum(h * w for h, w in SPATIAL_SHAPES)  # 30825
    query = jax.random.normal(ks[0], (N, Lq, D_MODEL), jnp.float32)
    reference_points = jax.random.uniform(ks[1], (N, Lq, NUM_Z, 2), jnp.float32)
    input_flatten = jax.random.normal(ks[2], (N, S, D_MODEL), jnp.float32)
    input_spatial_shapes = jnp.asarray(SPATIAL_SHAPES, jnp.int32)
    sc = 1.0 / np.sqrt(D_MODEL)
    W_off = jax.random.normal(ks[3], (N_HEADS * N_LEVELS * N_POINTS * 2, D_MODEL), jnp.float32) * sc * 0.1
    b_off = jax.random.normal(ks[4], (N_HEADS * N_LEVELS * N_POINTS * 2,), jnp.float32) * 0.5
    W_attn = jax.random.normal(ks[5], (N_HEADS * N_LEVELS * N_POINTS, D_MODEL), jnp.float32) * sc * 0.1
    b_attn = jnp.zeros((N_HEADS * N_LEVELS * N_POINTS,), jnp.float32)
    W_val = jax.random.normal(ks[6], (D_MODEL, D_MODEL), jnp.float32) * sc
    b_val = jnp.zeros((D_MODEL,), jnp.float32)
    return {"query": query, "reference_points": reference_points, "input_flatten": input_flatten,
            "input_spatial_shapes": input_spatial_shapes, "W_off": W_off, "b_off": b_off,
            "W_attn": W_attn, "b_attn": b_attn, "W_val": W_val, "b_val": b_val}


def reference(query, reference_points, input_flatten, input_spatial_shapes, W_off, b_off, W_attn, b_attn, W_val, b_val):
    shapes = SPATIAL_SHAPES
    norm = input_spatial_shapes[:, ::-1].astype(jnp.float32)  # flip(-1): (W, H)
    return _forward(query, reference_points, input_flatten, shapes, norm, W_off, b_off, W_attn, b_attn, W_val, b_val)

if __name__ == "__main__":
    import jax
    _d = setup_inputs()
    print(jax.jit(kernel)(*tuple(_d.values())))

</pallas_src>

<mosaic_0001>
#map = affine_map<(d0, d1) -> (0, 0)>
#map1 = affine_map<(d0, d1) -> (0, 0, 0)>
#map2 = affine_map<(d0, d1) -> (0, 0, 0, 0)>
module attributes {stable_mosaic.version = 14 : i64} {
  func.func @k(%arg0: i32, %arg1: i32, %arg2: memref<61650x128xf32, #tpu.memory_space<hbm>>, %arg3: memref<10240x8x128xi32, #tpu.memory_space<hbm>>, %arg4: memref<10240x8x128x16xf32, #tpu.memory_space<hbm>>, %arg5: memref<10240x256xf32, #tpu.memory_space<hbm>>, %arg6: memref<128xi32, #tpu.memory_space<vmem>>, %arg7: memref<128xi32, #tpu.memory_space<vmem>>, %arg8: memref<128x128xf32, #tpu.memory_space<vmem>>, %arg9: memref<128x128xf32, #tpu.memory_space<vmem>>, %arg10: memref<128x16xf32, #tpu.memory_space<vmem>>, %arg11: memref<128x16xf32, #tpu.memory_space<vmem>>, %arg12: memref<256xf32, #tpu.memory_space<vmem>>, %arg13: memref<!tpu.dma_semaphore, #tpu.memory_space<semaphore_mem>>, %arg14: memref<!tpu.dma_semaphore, #tpu.memory_space<semaphore_mem>>) attributes {dimension_semantics = [#tpu.dimension_semantics<core_parallel>, #tpu.dimension_semantics<subcore_parallel>], iteration_bounds = array<i64: 2, 16>, scalar_prefetch = 0 : i64, scratch_operands = 9 : i64, tpu.core_type = #tpu.core_type<sc_vector_subcore>, window_params = [{transform_indices = #map}, {transform_indices = #map1}, {transform_indices = #map2}, {transform_indices = #map}]} {
    %mul3A = arith.constant 2 : i32
    %mul3A_0 = arith.muli %arg1, %mul3A : i32
    %add3A = arith.addi %mul3A_0, %arg0 : i32
    %scan3A = arith.constant 0 : i32
    %scan3A_1 = arith.constant 0 : i32
    %scan3A_2 = arith.constant 320 : i32
    %scan3A_3 = arith.addi %scan3A_1, %scan3A_2 : i32
    %scan3A_4 = arith.constant 1 : i32
    scf.for %scan3A_6 = %scan3A_1 to %scan3A_3 step %scan3A_4  : i32 {
      %mul3A_7 = arith.constant 320 : i32
      %mul3A_8 = arith.muli %add3A, %mul3A_7 : i32
      %add3A_9 = arith.addi %mul3A_8, %scan3A_6 : i32
      %run_scoped3A = arith.constant 0 : i32
      "tpu.region"() ({
        %run_scoped3A_197 = tpu.sem_alloc : memref<!tpu.dma_semaphore, #tpu.memory_space<semaphore_mem>>
        %dma_start3A_198 = arith.constant 0 : i32
        %dma_start3A_199 = tpu.memref_slice %arg3[%add3A_9, %run_scoped3A, %dma_start3A_198] : memref<10240x8x128xi32, #tpu.memory_space<hbm>> -> memref<1x1x128xi32, #tpu.memory_space<hbm>>
        %dma_start3A_200 = tpu.memref_squeeze %dma_start3A_199 : memref<1x1x128xi32, #tpu.memory_space<hbm>> -> memref<128xi32, #tpu.memory_space<hbm>>
        %dma_start3A_201 = arith.constant 0 : i32
        %dma_start3A_202 = tpu.memref_slice %arg3[%add3A_9, %run_scoped3A, %dma_start3A_201] : memref<10240x8x128xi32, #tpu.memory_space<hbm>> -> memref<1x1x128xi32, #tpu.memory_space<hbm>>
        %dma_start3A_203 = tpu.memref_squeeze %dma_start3A_202 : memref<1x1x128xi32, #tpu.memory_space<hbm>> -> memref<128xi32, #tpu.memory_space<hbm>>
        tpu.enqueue_dma source(%dma_start3A_203 : memref<128xi32, #tpu.memory_space<hbm>>) target(%arg6 : memref<128xi32, #tpu.memory_space<vmem>>) target_semaphore(%run_scoped3A_197 : memref<!tpu.dma_semaphore, #tpu.memory_space<semaphore_mem>>)
        %dma_wait3A_204 = arith.constant 0 : i32
        %dma_wait3A_205 = tpu.memref_slice %arg3[%add3A_9, %run_scoped3A, %dma_wait3A_204] : memref<10240x8x128xi32, #tpu.memory_space<hbm>> -> memref<1x1x128xi32, #tpu.memory_space<hbm>>
        %dma_wait3A_206 = tpu.memref_squeeze %dma_wait3A_205 : memref<1x1x128xi32, #tpu.memory_space<hbm>> -> memref<128xi32, #tpu.memory_space<hbm>>
        %dma_wait3A_207 = arith.constant 0 : i32
        %dma_wait3A_208 = tpu.memref_slice %arg3[%add3A_9, %run_scoped3A, %dma_wait3A_207] : memref<10240x8x128xi32, #tpu.memory_space<hbm>> -> memref<1x1x128xi32, #tpu.memory_space<hbm>>
        %dma_wait3A_209 = tpu.memref_squeeze %dma_wait3A_208 : memref<1x1x128xi32, #tpu.memory_space<hbm>> -> memref<128xi32, #tpu.memory_space<hbm>>
        tpu.wait_dma2 semaphore(%run_scoped3A_197 : memref<!tpu.dma_semaphore, #tpu.memory_space<semaphore_mem>>) src(%dma_wait3A_209 : memref<128xi32, #tpu.memory_space<hbm>>) dst(%arg6 : memref<128xi32, #tpu.memory_space<vmem>>)
        tpu.yield
      }) : () -> ()
      %run_scoped3A_10 = arith.constant 0 : i32
      "tpu.region"() ({
        %run_scoped3A_197 = tpu.sem_alloc : memref<!tpu.dma_semaphore, #tpu.memory_space<semaphore_mem>>
        %dma_start3A_198 = arith.constant 0 : i32
        %dma_start3A_199 = arith.constant 0 : i32
        %dma_start3A_200 = tpu.memref_slice %arg4[%add3A_9, %run_scoped3A_10, %dma_start3A_198, %dma_start3A_199] : memref<10240x8x128x16xf32, #tpu.memory_space<hbm>> -> memref<1x1x128x16xf32, #tpu.memory_space<hbm>>
        %dma_start3A_201 = tpu.memref_squeeze %dma_start3A_200 : memref<1x1x128x16xf32, #tpu.memory_space<hbm>> -> memref<128x16xf32, #tpu.memory_space<hbm>>
        %dma_start3A_202 = arith.constant 0 : i32
        %dma_start3A_203 = arith.constant 0 : i32
        %dma_start3A_204 = tpu.memref_slice %arg4[%add3A_9, %run_scoped3A_10, %dma_start3A_202, %dma_start3A_203] : memref<10240x8x128x16xf32, #tpu.memory_space<hbm>> -> memref<1x1x128x16xf32, #tpu.memory_space<hbm>>
        %dma_start3A_205 = tpu.memref_squeeze %dma_start3A_204 : memref<1x1x128x16xf32, #tpu.memory_space<hbm>> -> memref<128x16xf32, #tpu.memory_space<hbm>>
        tpu.enqueue_dma source(%dma_start3A_205 : memref<128x16xf32, #tpu.memory_space<hbm>>) target(%arg10 : memref<128x16xf32, #tpu.memory_space<vmem>>) target_semaphore(%run_scoped3A_197 : memref<!tpu.dma_semaphore, #tpu.memory_space<semaphore_mem>>)
        %dma_wait3A_206 = arith.constant 0 : i32
        %dma_wait3A_207 = arith.constant 0 : i32
        %dma_wait3A_208 = tpu.memref_slice %arg4[%add3A_9, %run_scoped3A_10, %dma_wait3A_206, %dma_wait3A_207] : memref<10240x8x128x16xf32, #tpu.memory_space<hbm>> -> memref<1x1x128x16xf32, #tpu.memory_space<hbm>>
        %dma_wait3A_209 = tpu.memref_squeeze %dma_wait3A_208 : memref<1x1x128x16xf32, #tpu.memory_space<hbm>> -> memref<128x16xf32, #tpu.memory_space<hbm>>
        %dma_wait3A_210 = arith.constant 0 : i32
        %dma_wait3A_211 = arith.constant 0 : i32
        %dma_wait3A_212 = tpu.memref_slice %arg4[%add3A_9, %run_scoped3A_10, %dma_wait3A_210, %dma_wait3A_211] : memref<10240x8x128x16xf32, #tpu.memory_space<hbm>> -> memref<1x1x128x16xf32, #tpu.memory_space<hbm>>
        %dma_wait3A_213 = tpu.memref_squeeze %dma_wait3A_212 : memref<1x1x128x16xf32, #tpu.memory_space<hbm>> -> memref<128x16xf32, #tpu.memory_space<hbm>>
        tpu.wait_dma2 semaphore(%run_scoped3A_197 : memref<!tpu.dma_semaphore, #tpu.memory_space<semaphore_mem>>) src(%dma_wait3A_213 : memref<128x16xf32, #tpu.memory_space<hbm>>) dst(%arg10 : memref<128x16xf32, #tpu.memory_space<vmem>>)
        tpu.yield
      }) : () -> ()
      %dma_start3A = arith.constant 0 : i32
      %dma_start3A_11 = arith.constant 0 : i32
      %dma_start3A_12 = tpu.memref_slice %arg2[%dma_start3A, %dma_start3A_11] : memref<61650x128xf32, #tpu.memory_space<hbm>> -> memref<61650x128xf32, #tpu.memory_space<hbm>>
      tpu.enqueue_indirect_dma source(%dma_start3A_12 : memref<61650x128xf32, #tpu.memory_space<hbm>>) target(%arg8 : memref<128x128xf32, #tpu.memory_space<vmem>>) offsets(%arg6 : memref<128xi32, #tpu.memory_space<vmem>>) semaphore(%arg13 : memref<!tpu.dma_semaphore, #tpu.memory_space<semaphore_mem>>)
      %run_scoped3A_13 = arith.constant 1 : i32
      "tpu.region"() ({
        %run_scoped3A_197 = tpu.sem_alloc : memref<!tpu.dma_semaphore, #tpu.memory_space<semaphore_mem>>
        %dma_start3A_198 = arith.constant 0 : i32
        %dma_start3A_199 = tpu.memref_slice %arg3[%add3A_9, %run_scoped3A_13, %dma_start3A_198] : memref<10240x8x128xi32, #tpu.memory_space<hbm>> -> memref<1x1x128xi32, #tpu.memory_space<hbm>>
        %dma_start3A_200 = tpu.memref_squeeze %dma_start3A_199 : memref<1x1x128xi32, #tpu.memory_space<hbm>> -> memref<128xi32, #tpu.memory_space<hbm>>
        %dma_start3A_201 = arith.constant 0 : i32
        %dma_start3A_202 = tpu.memref_slice %arg3[%add3A_9, %run_scoped3A_13, %dma_start3A_201] : memref<10240x8x128xi32, #tpu.memory_space<hbm>> -> memref<1x1x128xi32, #tpu.memory_space<hbm>>
        %dma_start3A_203 = tpu.memref_squeeze %dma_start3A_202 : memref<1x1x128xi32, #tpu.memory_space<hbm>> -> memref<128xi32, #tpu.memory_space<hbm>>
        tpu.enqueue_dma source(%dma_start3A_203 : memref<128xi32, #tpu.memory_space<hbm>>) target(%arg7 : memref<128xi32, #tpu.memory_space<vmem>>) target_semaphore(%run_scoped3A_197 : memref<!tpu.dma_semaphore, #tpu.memory_space<semaphore_mem>>)
        %dma_wait3A_204 = arith.constant 0 : i32
        %dma_wait3A_205 = tpu.memref_slice %arg3[%add3A_9, %run_scoped3A_13, %dma_wait3A_204] : memref<10240x8x128xi32, #tpu.memory_space<hbm>> -> memref<1x1x128xi32, #tpu.memory_space<hbm>>
        %dma_wait3A_206 = tpu.memref_squeeze %dma_wait3A_205 : memref<1x1x128xi32, #tpu.memory_space<hbm>> -> memref<128xi32, #tpu.memory_space<hbm>>
        %dma_wait3A_207 = arith.constant 0 : i32
        %dma_wait3A_208 = tpu.memref_slice %arg3[%add3A_9, %run_scoped3A_13, %dma_wait3A_207] : memref<10240x8x128xi32, #tpu.memory_space<hbm>> -> memref<1x1x128xi32, #tpu.memory_space<hbm>>
        %dma_wait3A_209 = tpu.memref_squeeze %dma_wait3A_208 : memref<1x1x128xi32, #tpu.memory_space<hbm>> -> memref<128xi32, #tpu.memory_space<hbm>>
        tpu.wait_dma2 semaphore(%run_scoped3A_197 : memref<!tpu.dma_semaphore, #tpu.memory_space<semaphore_mem>>) src(%dma_wait3A_209 : memref<128xi32, #tpu.memory_space<hbm>>) dst(%arg7 : memref<128xi32, #tpu.memory_space<vmem>>)
        tpu.yield
      }) : () -> ()
      %run_scoped3A_14 = arith.constant 1 : i32
      "tpu.region"() ({
        %run_scoped3A_197 = tpu.sem_alloc : memref<!tpu.dma_semaphore, #tpu.memory_space<semaphore_mem>>
        %dma_start3A_198 = arith.constant 0 : i32
        %dma_start3A_199 = arith.constant 0 : i32
        %dma_start3A_200 = tpu.memref_slice %arg4[%add3A_9, %run_scoped3A_14, %dma_start3A_198, %dma_start3A_199] : memref<10240x8x128x16xf32, #tpu.memory_space<hbm>> -> memref<1x1x128x16xf32, #tpu.memory_space<hbm>>
        %dma_start3A_201 = tpu.memref_squeeze %dma_start3A_200 : memref<1x1x128x16xf32, #tpu.memory_space<hbm>> -> memref<128x16xf32, #tpu.memory_space<hbm>>
        %dma_start3A_202 = arith.constant 0 : i32
        %dma_start3A_203 = arith.constant 0 : i32
        %dma_start3A_204 = tpu.memref_slice %arg4[%add3A_9, %run_scoped3A_14, %dma_start3A_202, %dma_start3A_203] : memref<10240x8x128x16xf32, #tpu.memory_space<hbm>> -> memref<1x1x128x16xf32, #tpu.memory_space<hbm>>
        %dma_start3A_205 = tpu.memref_squeeze %dma_start3A_204 : memref<1x1x128x16xf32, #tpu.memory_space<hbm>> -> memref<128x16xf32, #tpu.memory_space<hbm>>
        tpu.enqueue_dma source(%dma_start3A_205 : memref<128x16xf32, #tpu.memory_space<hbm>>) target(%arg11 : memref<128x16xf32, #tpu.memory_space<vmem>>) target_semaphore(%run_scoped3A_197 : memref<!tpu.dma_semaphore, #tpu.memory_space<semaphore_mem>>)
        %dma_wait3A_206 = arith.constant 0 : i32
        %dma_wait3A_207 = arith.constant 0 : i32
        %dma_wait3A_208 = tpu.memref_slice %arg4[%add3A_9, %run_scoped3A_14, %dma_wait3A_206, %dma_wait3A_207] : memref<10240x8x128x16xf32, #tpu.memory_space<hbm>> -> memref<1x1x128x16xf32, #tpu.memory_space<hbm>>
        %dma_wait3A_209 = tpu.memref_squeeze %dma_wait3A_208 : memref<1x1x128x16xf32, #tpu.memory_space<hbm>> -> memref<128x16xf32, #tpu.memory_space<hbm>>
        %dma_wait3A_210 = arith.constant 0 : i32
        %dma_wait3A_211 = arith.constant 0 : i32
        %dma_wait3A_212 = tpu.memref_slice %arg4[%add3A_9, %run_scoped3A_14, %dma_wait3A_210, %dma_wait3A_211] : memref<10240x8x128x16xf32, #tpu.memory_space<hbm>> -> memref<1x1x128x16xf32, #tpu.memory_space<hbm>>
        %dma_wait3A_213 = tpu.memref_squeeze %dma_wait3A_212 : memref<1x1x128x16xf32, #tpu.memory_space<hbm>> -> memref<128x16xf32, #tpu.memory_space<hbm>>
        tpu.wait_dma2 semaphore(%run_scoped3A_197 : memref<!tpu.dma_semaphore, #tpu.memory_space<semaphore_mem>>) src(%dma_wait3A_213 : memref<128x16xf32, #tpu.memory_space<hbm>>) dst(%arg11 : memref<128x16xf32, #tpu.memory_space<vmem>>)
        tpu.yield
      }) : () -> ()
      %dma_start3A_15 = arith.constant 0 : i32
      %dma_start3A_16 = arith.constant 0 : i32
      %dma_start3A_17 = tpu.memref_slice %arg2[%dma_start3A_15, %dma_start3A_16] : memref<61650x128xf32, #tpu.memory_space<hbm>> -> memref<61650x128xf32, #tpu.memory_space<hbm>>
      tpu.enqueue_indirect_dma source(%dma_start3A_17 : memref<61650x128xf32, #tpu.memory_space<hbm>>) target(%arg9 : memref<128x128xf32, #tpu.memory_space<vmem>>) offsets(%arg7 : memref<128xi32, #tpu.memory_space<vmem>>) semaphore(%arg14 : memref<!tpu.dma_semaphore, #tpu.memory_space<semaphore_mem>>)
      %dma_wait3A = arith.constant 0 : i32
      %dma_wait3A_18 = arith.constant 0 : i32
      %dma_wait3A_19 = tpu.memref_slice %arg2[%dma_wait3A, %dma_wait3A_18] : memref<61650x128xf32, #tpu.memory_space<hbm>> -> memref<61650x128xf32, #tpu.memory_space<hbm>>
      tpu.wait_indirect_dma semaphore(%arg13 : memref<!tpu.dma_semaphore, #tpu.memory_space<semaphore_mem>>) src(%dma_wait3A_19 : memref<61650x128xf32, #tpu.memory_space<hbm>>) dst(%arg8 : memref<128x128xf32, #tpu.memory_space<vmem>>)
      %broadcast_in_dim3A = arith.constant 0.000000e+00 : f32
      %broadcast_in_dim3A_20 = vector.broadcast %broadcast_in_dim3A : f32 to vector<16xf32>
      %scan3A_21 = arith.constant 0 : i32
      %scan3A_22 = arith.constant 128 : i32
      %scan3A_23 = arith.addi %scan3A_21, %scan3A_22 : i32
      %scan3A_24 = arith.constant 1 : i32
      %scan3A_25:2 = scf.for %scan3A_197 = %scan3A_21 to %scan3A_23 step %scan3A_24 iter_args(%scan3A_198 = %broadcast_in_dim3A_20, %scan3A_199 = %broadcast_in_dim3A_20) -> (vector<16xf32>, vector<16xf32>)  : i32 {
        %get3A = arith.index_cast %scan3A_197 : i32 to index
        %get3A_200 = arith.constant 0 : index
        %get3A_201 = tpu.vector_load %arg10[%get3A, %get3A_200] {strides = array<i32>} : memref<128x16xf32, #tpu.memory_space<vmem>>, vector<1x16xf32>,
        %get3A_202 = vector.shape_cast %get3A_201 : vector<1x16xf32> to vector<16xf32>
        %get3A_203 = arith.index_cast %scan3A_197 : i32 to index
        %get3A_204 = arith.constant 0 : index
        %get3A_205 = tpu.vector_load %arg8[%get3A_203, %get3A_204] {strides = array<i32>} : memref<128x128xf32, #tpu.memory_space<vmem>>, vector<1x16xf32>,
        %get3A_206 = vector.shape_cast %get3A_205 : vector<1x16xf32> to vector<16xf32>
        %get3A_207 = arith.index_cast %scan3A_197 : i32 to index
        %get3A_208 = arith.constant 16 : index
        %get3A_209 = tpu.vector_load %arg8[%get3A_207, %get3A_208] {strides = array<i32>} : memref<128x128xf32, #tpu.memory_space<vmem>>, vector<1x16xf32>,
        %get3A_210 = vector.shape_cast %get3A_209 : vector<1x16xf32> to vector<16xf32>
        %mul3A_211 = arith.mulf %get3A_202, %get3A_206 : vector<16xf32>
        %add3A_212 = arith.addf %scan3A_198, %mul3A_211 : vector<16xf32>
        %mul3A_213 = arith.mulf %get3A_202, %get3A_210 : vector<16xf32>
        %add3A_214 = arith.addf %scan3A_199, %mul3A_213 : vector<16xf32>
        scf.yield %add3A_212, %add3A_214 : vector<16xf32>, vector<16xf32>
      }
      %scan3A_26 = arith.constant 128 : i32
      %swap3A = arith.constant 0 : index
      %swap3A_27 = tpu.vector_load %arg12[%swap3A] {strides = array<i32>} : memref<256xf32, #tpu.memory_space<vmem>>, vector<16xf32>,
      %swap3A_28 = vector.shape_cast %swap3A_27 : vector<16xf32> to vector<16xf32>
      %swap3A_29 = vector.shape_cast %scan3A_25#0 : vector<16xf32> to vector<16xf32>
      tpu.vector_store %arg12[%swap3A], %swap3A_29 {strides = array<i32>} : memref<256xf32, #tpu.memory_space<vmem>>, vector<16xf32>,
      %swap3A_30 = arith.constant 16 : index
      %swap3A_31 = tpu.vector_load %arg12[%swap3A_30] {strides = array<i32>} : memref<256xf32, #tpu.memory_space<vmem>>, vector<16xf32>,
      %swap3A_32 = vector.shape_cast %swap3A_31 : vector<16xf32> to vector<16xf32>
      %swap3A_33 = vector.shape_cast %scan3A_25#1 : vector<16xf32> to vector<16xf32>
      tpu.vector_store %arg12[%swap3A_30], %swap3A_33 {strides = array<i32>} : memref<256xf32, #tpu.memory_space<vmem>>, vector<16xf32>,
      %run_scoped3A_34 = arith.constant 2 : i32
      "tpu.region"() ({
        %run_scoped3A_197 = tpu.sem_alloc : memref<!tpu.dma_semaphore, #tpu.memory_space<semaphore_mem>>
        %dma_start3A_198 = arith.constant 0 : i32
        %dma_start3A_199 = tpu.memref_slice %arg3[%add3A_9, %run_scoped3A_34, %dma_start3A_198] : memref<10240x8x128xi32, #tpu.memory_space<hbm>> -> memref<1x1x128xi32, #tpu.memory_space<hbm>>
        %dma_start3A_200 = tpu.memref_squeeze %dma_start3A_199 : memref<1x1x128xi32, #tpu.memory_space<hbm>> -> memref<128xi32, #tpu.memory_space<hbm>>
        %dma_start3A_201 = arith.constant 0 : i32
        %dma_start3A_202 = tpu.memref_slice %arg3[%add3A_9, %run_scoped3A_34, %dma_start3A_201] : memref<10240x8x128xi32, #tpu.memory_space<hbm>> -> memref<1x1x128xi32, #tpu.memory_space<hbm>>
        %dma_start3A_203 = tpu.memref_squeeze %dma_start3A_202 : memref<1x1x128xi32, #tpu.memory_space<hbm>> -> memref<128xi32, #tpu.memory_space<hbm>>
        tpu.enqueue_dma source(%dma_start3A_203 : memref<128xi32, #tpu.memory_space<hbm>>) target(%arg6 : memref<128xi32, #tpu.memory_space<vmem>>) target_semaphore(%run_scoped3A_197 : memref<!tpu.dma_semaphore, #tpu.memory_space<semaphore_mem>>)
        %dma_wait3A_204 = arith.constant 0 : i32
        %dma_wait3A_205 = tpu.memref_slice %arg3[%add3A_9, %run_scoped3A_34, %dma_wait3A_204] : memref<10240x8x128xi32, #tpu.memory_space<hbm>> -> memref<1x1x128xi32, #tpu.memory_space<hbm>>
        %dma_wait3A_206 = tpu.memref_squeeze %dma_wait3A_205 : memref<1x1x128xi32, #tpu.memory_space<hbm>> -> memref<128xi32, #tpu.memory_space<hbm>>
        %dma_wait3A_207 = arith.constant 0 : i32
        %dma_wait3A_208 = tpu.memref_slice %arg3[%add3A_9, %run_scoped3A_34, %dma_wait3A_207] : memref<10240x8x128xi32, #tpu.memory_space<hbm>> -> memref<1x1x128xi32, #tpu.memory_space<hbm>>
        %dma_wait3A_209 = tpu.memref_squeeze %dma_wait3A_208 : memref<1x1x128xi32, #tpu.memory_space<hbm>> -> memref<128xi32, #tpu.memory_space<hbm>>
        tpu.wait_dma2 semaphore(%run_scoped3A_197 : memref<!tpu.dma_semaphore, #tpu.memory_space<semaphore_mem>>) src(%dma_wait3A_209 : memref<128xi32, #tpu.memory_space<hbm>>) dst(%arg6 : memref<128xi32, #tpu.memory_space<vmem>>)
        tpu.yield
      }) : () -> ()
      %run_scoped3A_35 = arith.constant 2 : i32
      "tpu.region"() ({
        %run_scoped3A_197 = tpu.sem_alloc : memref<!tpu.dma_semaphore, #tpu.memory_space<semaphore_mem>>
        %dma_start3A_198 = arith.constant 0 : i32
        %dma_start3A_199 = arith.constant 0 : i32
        %dma_start3A_200 = tpu.memref_slice %arg4[%add3A_9, %run_scoped3A_35, %dma_start3A_198, %dma_start3A_199] : memref<10240x8x128x16xf32, #tpu.memory_space<hbm>> -> memref<1x1x128x16xf32, #tpu.memory_space<hbm>>
        %dma_start3A_201 = tpu.memref_squeeze %dma_start3A_200 : memref<1x1x128x16xf32, #tpu.memory_space<hbm>> -> memref<128x16xf32, #tpu.memory_space<hbm>>
        %dma_start3A_202 = arith.constant 0 : i32
        %dma_start3A_203 = arith.constant 0 : i32
        %dma_start3A_204 = tpu.memref_slice %arg4[%add3A_9, %run_scoped3A_35, %dma_start3A_202, %dma_start3A_203] : memref<10240x8x128x16xf32, #tpu.memory_space<hbm>> -> memref<1x1x128x16xf32, #tpu.memory_space<hbm>>
        %dma_start3A_205 = tpu.memref_squeeze %dma_start3A_204 : memref<1x1x128x16xf32, #tpu.memory_space<hbm>> -> memref<128x16xf32, #tpu.memory_space<hbm>>
        tpu.enqueue_dma source(%dma_start3A_205 : memref<128x16xf32, #tpu.memory_space<hbm>>) target(%arg10 : memref<128x16xf32, #tpu.memory_space<vmem>>) target_semaphore(%run_scoped3A_197 : memref<!tpu.dma_semaphore, #tpu.memory_space<semaphore_mem>>)
        %dma_wait3A_206 = arith.constant 0 : i32
        %dma_wait3A_207 = arith.constant 0 : i32
        %dma_wait3A_208 = tpu.memref_slice %arg4[%add3A_9, %run_scoped3A_35, %dma_wait3A_206, %dma_wait3A_207] : memref<10240x8x128x16xf32, #tpu.memory_space<hbm>> -> memref<1x1x128x16xf32, #tpu.memory_space<hbm>>
        %dma_wait3A_209 = tpu.memref_squeeze %dma_wait3A_208 : memref<1x1x128x16xf32, #tpu.memory_space<hbm>> -> memref<128x16xf32, #tpu.memory_space<hbm>>
        %dma_wait3A_210 = arith.constant 0 : i32
        %dma_wait3A_211 = arith.constant 0 : i32
        %dma_wait3A_212 = tpu.memref_slice %arg4[%add3A_9, %run_scoped3A_35, %dma_wait3A_210, %dma_wait3A_211] : memref<10240x8x128x16xf32, #tpu.memory_space<hbm>> -> memref<1x1x128x16xf32, #tpu.memory_space<hbm>>
        %dma_wait3A_213 = tpu.memref_squeeze %dma_wait3A_212 : memref<1x1x128x16xf32, #tpu.memory_space<hbm>> -> memref<128x16xf32, #tpu.memory_space<hbm>>
        tpu.wait_dma2 semaphore(%run_scoped3A_197 : memref<!tpu.dma_semaphore, #tpu.memory_space<semaphore_mem>>) src(%dma_wait3A_213 : memref<128x16xf32, #tpu.memory_space<hbm>>) dst(%arg10 : memref<128x16xf32, #tpu.memory_space<vmem>>)
        tpu.yield
      }) : () -> ()
      %dma_start3A_36 = arith.constant 0 : i32
      %dma_start3A_37 = arith.constant 0 : i32
      %dma_start3A_38 = tpu.memref_slice %arg2[%dma_start3A_36, %dma_start3A_37] : memref<61650x128xf32, #tpu.memory_space<hbm>> -> memref<61650x128xf32, #tpu.memory_space<hbm>>
      tpu.enqueue_indirect_dma source(%dma_start3A_38 : memref<61650x128xf32, #tpu.memory_space<hbm>>) target(%arg8 : memref<128x128xf32, #tpu.memory_space<vmem>>) offsets(%arg6 : memref<128xi32, #tpu.memory_space<vmem>>) semaphore(%arg13 : memref<!tpu.dma_semaphore, #tpu.memory_space<semaphore_mem>>)
      %dma_wait3A_39 = arith.constant 0 : i32
      %dma_wait3A_40 = arith.constant 0 : i32
      %dma_wait3A_41 = tpu.memref_slice %arg2[%dma_wait3A_39, %dma_wait3A_40] : memref<61650x128xf32, #tpu.memory_space<hbm>> -> memref<61650x128xf32, #tpu.memory_space<hbm>>
      tpu.wait_indirect_dma semaphore(%arg14 : memref<!tpu.dma_semaphore, #tpu.memory_space<semaphore_mem>>) src(%dma_wait3A_41 : memref<61650x128xf32, #tpu.memory_space<hbm>>) dst(%arg9 : memref<128x128xf32, #tpu.memory_space<vmem>>)
      %broadcast_in_dim3A_42 = arith.constant 0.000000e+00 : f32
      %broadcast_in_dim3A_43 = vector.broadcast %broadcast_in_dim3A_42 : f32 to vector<16xf32>
      %scan3A_44 = arith.constant 0 : i32
      %scan3A_45 = arith.constant 128 : i32
      %scan3A_46 = arith.addi %scan3A_44, %scan3A_45 : i32
      %scan3A_47 = arith.constant 1 : i32
      %scan3A_48:2 = scf.for %scan3A_197 = %scan3A_44 to %scan3A_46 step %scan3A_47 iter_args(%scan3A_198 = %broadcast_in_dim3A_43, %scan3A_199 = %broadcast_in_dim3A_43) -> (vector<16xf32>, vector<16xf32>)  : i32 {
        %get3A = arith.index_cast %scan3A_197 : i32 to index
        %get3A_200 = arith.constant 0 : index
        %get3A_201 = tpu.vector_load %arg11[%get3A, %get3A_200] {strides = array<i32>} : memref<128x16xf32, #tpu.memory_space<vmem>>, vector<1x16xf32>,
        %get3A_202 = vector.shape_cast %get3A_201 : vector<1x16xf32> to vector<16xf32>
        %get3A_203 = arith.index_cast %scan3A_197 : i32 to index
        %get3A_204 = arith.constant 32 : index
        %get3A_205 = tpu.vector_load %arg9[%get3A_203, %get3A_204] {strides = array<i32>} : memref<128x128xf32, #tpu.memory_space<vmem>>, vector<1x16xf32>,
        %get3A_206 = vector.shape_cast %get3A_205 : vector<1x16xf32> to vector<16xf32>
        %get3A_207 = arith.index_cast %scan3A_197 : i32 to index
        %get3A_208 = arith.constant 48 : index
        %get3A_209 = tpu.vector_load %arg9[%get3A_207, %get3A_208] {strides = array<i32>} : memref<128x128xf32, #tpu.memory_space<vmem>>, vector<1x16xf32>,
        %get3A_210 = vector.shape_cast %get3A_209 : vector<1x16xf32> to vector<16xf32>
        %mul3A_211 = arith.mulf %get3A_202, %get3A_206 : vector<16xf32>
        %add3A_212 = arith.addf %scan3A_198, %mul3A_211 : vector<16xf32>
        %mul3A_213 = arith.mulf %get3A_202, %get3A_210 : vector<16xf32>
        %add3A_214 = arith.addf %scan3A_199, %mul3A_213 : vector<16xf32>
        scf.yield %add3A_212, %add3A_214 : vector<16xf32>, vector<16xf32>
      }
      %scan3A_49 = arith.constant 128 : i32
      %swap3A_50 = arith.constant 32 : index
      %swap3A_51 = tpu.vector_load %arg12[%swap3A_50] {strides = array<i32>} : memref<256xf32, #tpu.memory_space<vmem>>, vector<16xf32>,
      %swap3A_52 = vector.shape_cast %swap3A_51 : vector<16xf32> to vector<16xf32>
      %swap3A_53 = vector.shape_cast %scan3A_48#0 : vector<16xf32> to vector<16xf32>
      tpu.vector_store %arg12[%swap3A_50], %swap3A_53 {strides = array<i32>} : memref<256xf32, #tpu.memory_space<vmem>>, vector<16xf32>,
      %swap3A_54 = arith.constant 48 : index
      %swap3A_55 = tpu.vector_load %arg12[%swap3A_54] {strides = array<i32>} : memref<256xf32, #tpu.memory_space<vmem>>, vector<16xf32>,
      %swap3A_56 = vector.shape_cast %swap3A_55 : vector<16xf32> to vector<16xf32>
      %swap3A_57 = vector.shape_cast %scan3A_48#1 : vector<16xf32> to vector<16xf32>
      tpu.vector_store %arg12[%swap3A_54], %swap3A_57 {strides = array<i32>} : memref<256xf32, #tpu.memory_space<vmem>>, vector<16xf32>,
      %run_scoped3A_58 = arith.constant 3 : i32
      "tpu.region"() ({
        %run_scoped3A_197 = tpu.sem_alloc : memref<!tpu.dma_semaphore, #tpu.memory_space<semaphore_mem>>
        %dma_start3A_198 = arith.constant 0 : i32
        %dma_start3A_199 = tpu.memref_slice %arg3[%add3A_9, %run_scoped3A_58, %dma_start3A_198] : memref<10240x8x128xi32, #tpu.memory_space<hbm>> -> memref<1x1x128xi32, #tpu.memory_space<hbm>>
        %dma_start3A_200 = tpu.memref_squeeze %dma_start3A_199 : memref<1x1x128xi32, #tpu.memory_space<hbm>> -> memref<128xi32, #tpu.memory_space<hbm>>
        %dma_start3A_201 = arith.constant 0 : i32
        %dma_start3A_202 = tpu.memref_slice %arg3[%add3A_9, %run_scoped3A_58, %dma_start3A_201] : memref<10240x8x128xi32, #tpu.memory_space<hbm>> -> memref<1x1x128xi32, #tpu.memory_space<hbm>>
        %dma_start3A_203 = tpu.memref_squeeze %dma_start3A_202 : memref<1x1x128xi32, #tpu.memory_space<hbm>> -> memref<128xi32, #tpu.memory_space<hbm>>
        tpu.enqueue_dma source(%dma_start3A_203 : memref<128xi32, #tpu.memory_space<hbm>>) target(%arg7 : memref<128xi32, #tpu.memory_space<vmem>>) target_semaphore(%run_scoped3A_197 : memref<!tpu.dma_semaphore, #tpu.memory_space<semaphore_mem>>)
        %dma_wait3A_204 = arith.constant 0 : i32
        %dma_wait3A_205 = tpu.memref_slice %arg3[%add3A_9, %run_scoped3A_58, %dma_wait3A_204] : memref<10240x8x128xi32, #tpu.memory_space<hbm>> -> memref<1x1x128xi32, #tpu.memory_space<hbm>>
        %dma_wait3A_206 = tpu.memref_squeeze %dma_wait3A_205 : memref<1x1x128xi32, #tpu.memory_space<hbm>> -> memref<128xi32, #tpu.memory_space<hbm>>
        %dma_wait3A_207 = arith.constant 0 : i32
        %dma_wait3A_208 = tpu.memref_slice %arg3[%add3A_9, %run_scoped3A_58, %dma_wait3A_207] : memref<10240x8x128xi32, #tpu.memory_space<hbm>> -> memref<1x1x128xi32, #tpu.memory_space<hbm>>
        %dma_wait3A_209 = tpu.memref_squeeze %dma_wait3A_208 : memref<1x1x128xi32, #tpu.memory_space<hbm>> -> memref<128xi32, #tpu.memory_space<hbm>>
        tpu.wait_dma2 semaphore(%run_scoped3A_197 : memref<!tpu.dma_semaphore, #tpu.memory_space<semaphore_mem>>) src(%dma_wait3A_209 : memref<128xi32, #tpu.memory_space<hbm>>) dst(%arg7 : memref<128xi32, #tpu.memory_space<vmem>>)
        tpu.yield
      }) : () -> ()
      %run_scoped3A_59 = arith.constant 3 : i32
      "tpu.region"() ({
        %run_scoped3A_197 = tpu.sem_alloc : memref<!tpu.dma_semaphore, #tpu.memory_space<semaphore_mem>>
        %dma_start3A_198 = arith.constant 0 : i32
        %dma_start3A_199 = arith.constant 0 : i32
        %dma_start3A_200 = tpu.memref_slice %arg4[%add3A_9, %run_scoped3A_59, %dma_start3A_198, %dma_start3A_199] : memref<10240x8x128x16xf32, #tpu.memory_space<hbm>> -> memref<1x1x128x16xf32, #tpu.memory_space<hbm>>
        %dma_start3A_201 = tpu.memref_squeeze %dma_start3A_200 : memref<1x1x128x16xf32, #tpu.memory_space<hbm>> -> memref<128x16xf32, #tpu.memory_space<hbm>>
        %dma_start3A_202 = arith.constant 0 : i32
        %dma_start3A_203 = arith.constant 0 : i32
        %dma_start3A_204 = tpu.memref_slice %arg4[%add3A_9, %run_scoped3A_59, %dma_start3A_202, %dma_start3A_203] : memref<10240x8x128x16xf32, #tpu.memory_space<hbm>> -> memref<1x1x128x16xf32, #tpu.memory_space<hbm>>
        %dma_start3A_205 = tpu.memref_squeeze %dma_start3A_204 : memref<1x1x128x16xf32, #tpu.memory_space<hbm>> -> memref<128x16xf32, #tpu.memory_space<hbm>>
        tpu.enqueue_dma source(%dma_start3A_205 : memref<128x16xf32, #tpu.memory_space<hbm>>) target(%arg11 : memref<128x16xf32, #tpu.memory_space<vmem>>) target_semaphore(%run_scoped3A_197 : memref<!tpu.dma_semaphore, #tpu.memory_space<semaphore_mem>>)
        %dma_wait3A_206 = arith.constant 0 : i32
        %dma_wait3A_207 = arith.constant 0 : i32
        %dma_wait3A_208 = tpu.memref_slice %arg4[%add3A_9, %run_scoped3A_59, %dma_wait3A_206, %dma_wait3A_207] : memref<10240x8x128x16xf32, #tpu.memory_space<hbm>> -> memref<1x1x128x16xf32, #tpu.memory_space<hbm>>
        %dma_wait3A_209 = tpu.memref_squeeze %dma_wait3A_208 : memref<1x1x128x16xf32, #tpu.memory_space<hbm>> -> memref<128x16xf32, #tpu.memory_space<hbm>>
        %dma_wait3A_210 = arith.constant 0 : i32
        %dma_wait3A_211 = arith.constant 0 : i32
        %dma_wait3A_212 = tpu.memref_slice %arg4[%add3A_9, %run_scoped3A_59, %dma_wait3A_210, %dma_wait3A_211] : memref<10240x8x128x16xf32, #tpu.memory_space<hbm>> -> memref<1x1x128x16xf32, #tpu.memory_space<hbm>>
        %dma_wait3A_213 = tpu.memref_squeeze %dma_wait3A_212 : memref<1x1x128x16xf32, #tpu.memory_space<hbm>> -> memref<128x16xf32, #tpu.memory_space<hbm>>
        tpu.wait_dma2 semaphore(%run_scoped3A_197 : memref<!tpu.dma_semaphore, #tpu.memory_space<semaphore_mem>>) src(%dma_wait3A_213 : memref<128x16xf32, #tpu.memory_space<hbm>>) dst(%arg11 : memref<128x16xf32, #tpu.memory_space<vmem>>)
        tpu.yield
      }) : () -> ()
      %dma_start3A_60 = arith.constant 0 : i32
      %dma_start3A_61 = arith.constant 0 : i32
      %dma_start3A_62 = tpu.memref_slice %arg2[%dma_start3A_60, %dma_start3A_61] : memref<61650x128xf32, #tpu.memory_space<hbm>> -> memref<61650x128xf32, #tpu.memory_space<hbm>>
      tpu.enqueue_indirect_dma source(%dma_start3A_62 : memref<61650x128xf32, #tpu.memory_space<hbm>>) target(%arg9 : memref<128x128xf32, #tpu.memory_space<vmem>>) offsets(%arg7 : memref<128xi32, #tpu.memory_space<vmem>>) semaphore(%arg14 : memref<!tpu.dma_semaphore, #tpu.memory_space<semaphore_mem>>)
      %dma_wait3A_63 = arith.constant 0 : i32
      %dma_wait3A_64 = arith.constant 0 : i32
      %dma_wait3A_65 = tpu.memref_slice %arg2[%dma_wait3A_63, %dma_wait3A_64] : memref<61650x128xf32, #tpu.memory_space<hbm>> -> memref<61650x128xf32, #tpu.memory_space<hbm>>
      tpu.wait_indirect_dma semaphore(%arg13 : memref<!tpu.dma_semaphore, #tpu.memory_space<semaphore_mem>>) src(%dma_wait3A_65 : memref<61650x128xf32, #tpu.memory_space<hbm>>) dst(%arg8 : memref<128x128xf32, #tpu.memory_space<vmem>>)
      %broadcast_in_dim3A_66 = arith.constant 0.000000e+00 : f32
      %broadcast_in_dim3A_67 = vector.broadcast %broadcast_in_dim3A_66 : f32 to vector<16xf32>
      %scan3A_68 = arith.constant 0 : i32
      %scan3A_69 = arith.constant 128 : i32
      %scan3A_70 = arith.addi %scan3A_68, %scan3A_69 : i32
      %scan3A_71 = arith.constant 1 : i32
      %scan3A_72:2 = scf.for %scan3A_197 = %scan3A_68 to %scan3A_70 step %scan3A_71 iter_args(%scan3A_198 = %broadcast_in_dim3A_67, %scan3A_199 = %broadcast_in_dim3A_67) -> (vector<16xf32>, vector<16xf32>)  : i32 {
        %get3A = arith.index_cast %scan3A_197 : i32 to index
        %get3A_200 = arith.constant 0 : index
        %get3A_201 = tpu.vector_load %arg10[%get3A, %get3A_200] {strides = array<i32>} : memref<128x16xf32, #tpu.memory_space<vmem>>, vector<1x16xf32>,
        %get3A_202 = vector.shape_cast %get3A_201 : vector<1x16xf32> to vector<16xf32>
        %get3A_203 = arith.index_cast %scan3A_197 : i32 to index
        %get3A_204 = arith.constant 64 : index
        %get3A_205 = tpu.vector_load %arg8[%get3A_203, %get3A_204] {strides = array<i32>} : memref<128x128xf32, #tpu.memory_space<vmem>>, vector<1x16xf32>,
        %get3A_206 = vector.shape_cast %get3A_205 : vector<1x16xf32> to vector<16xf32>
        %get3A_207 = arith.index_cast %scan3A_197 : i32 to index
        %get3A_208 = arith.constant 80 : index
        %get3A_209 = tpu.vector_load %arg8[%get3A_207, %get3A_208] {strides = array<i32>} : memref<128x128xf32, #tpu.memory_space<vmem>>, vector<1x16xf32>,
        %get3A_210 = vector.shape_cast %get3A_209 : vector<1x16xf32> to vector<16xf32>
        %mul3A_211 = arith.mulf %get3A_202, %get3A_206 : vector<16xf32>
        %add3A_212 = arith.addf %scan3A_198, %mul3A_211 : vector<16xf32>
        %mul3A_213 = arith.mulf %get3A_202, %get3A_210 : vector<16xf32>
        %add3A_214 = arith.addf %scan3A_199, %mul3A_213 : vector<16xf32>
        scf.yield %add3A_212, %add3A_214 : vector<16xf32>, vector<16xf32>
      }
      %scan3A_73 = arith.constant 128 : i32
      %swap3A_74 = arith.constant 64 : index
      %swap3A_75 = tpu.vector_load %arg12[%swap3A_74] {strides = array<i32>} : memref<256xf32, #tpu.memory_space<vmem>>, vector<16xf32>,
      %swap3A_76 = vector.shape_cast %swap3A_75 : vector<16xf32> to vector<16xf32>
      %swap3A_77 = vector.shape_cast %scan3A_72#0 : vector<16xf32> to vector<16xf32>
      tpu.vector_store %arg12[%swap3A_74], %swap3A_77 {strides = array<i32>} : memref<256xf32, #tpu.memory_space<vmem>>, vector<16xf32>,
      %swap3A_78 = arith.constant 80 : index
      %swap3A_79 = tpu.vector_load %arg12[%swap3A_78] {strides = array<i32>} : memref<256xf32, #tpu.memory_space<vmem>>, vector<16xf32>,
      %swap3A_80 = vector.shape_cast %swap3A_79 : vector<16xf32> to vector<16xf32>
      %swap3A_81 = vector.shape_cast %scan3A_72#1 : vector<16xf32> to vector<16xf32>
      tpu.vector_store %arg12[%swap3A_78], %swap3A_81 {strides = array<i32>} : memref<256xf32, #tpu.memory_space<vmem>>, vector<16xf32>,
      %run_scoped3A_82 = arith.constant 4 : i32
      "tpu.region"() ({
        %run_scoped3A_197 = tpu.sem_alloc : memref<!tpu.dma_semaphore, #tpu.memory_space<semaphore_mem>>
        %dma_start3A_198 = arith.constant 0 : i32
        %dma_start3A_199 = tpu.memref_slice %arg3[%add3A_9, %run_scoped3A_82, %dma_start3A_198] : memref<10240x8x128xi32, #tpu.memory_space<hbm>> -> memref<1x1x128xi32, #tpu.memory_space<hbm>>
        %dma_start3A_200 = tpu.memref_squeeze %dma_start3A_199 : memref<1x1x128xi32, #tpu.memory_space<hbm>> -> memref<128xi32, #tpu.memory_space<hbm>>
        %dma_start3A_201 = arith.constant 0 : i32
        %dma_start3A_202 = tpu.memref_slice %arg3[%add3A_9, %run_scoped3A_82, %dma_start3A_201] : memref<10240x8x128xi32, #tpu.memory_space<hbm>> -> memref<1x1x128xi32, #tpu.memory_space<hbm>>
        %dma_start3A_203 = tpu.memref_squeeze %dma_start3A_202 : memref<1x1x128xi32, #tpu.memory_space<hbm>> -> memref<128xi32, #tpu.memory_space<hbm>>
        tpu.enqueue_dma source(%dma_start3A_203 : memref<128xi32, #tpu.memory_space<hbm>>) target(%arg6 : memref<128xi32, #tpu.memory_space<vmem>>) target_semaphore(%run_scoped3A_197 : memref<!tpu.dma_semaphore, #tpu.memory_space<semaphore_mem>>)
        %dma_wait3A_204 = arith.constant 0 : i32
        %dma_wait3A_205 = tpu.memref_slice %arg3[%add3A_9, %run_scoped3A_82, %dma_wait3A_204] : memref<10240x8x128xi32, #tpu.memory_space<hbm>> -> memref<1x1x128xi32, #tpu.memory_space<hbm>>
        %dma_wait3A_206 = tpu.memref_squeeze %dma_wait3A_205 : memref<1x1x128xi32, #tpu.memory_space<hbm>> -> memref<128xi32, #tpu.memory_space<hbm>>
        %dma_wait3A_207 = arith.constant 0 : i32
        %dma_wait3A_208 = tpu.memref_slice %arg3[%add3A_9, %run_scoped3A_82, %dma_wait3A_207] : memref<10240x8x128xi32, #tpu.memory_space<hbm>> -> memref<1x1x128xi32, #tpu.memory_space<hbm>>
        %dma_wait3A_209 = tpu.memref_squeeze %dma_wait3A_208 : memref<1x1x128xi32, #tpu.memory_space<hbm>> -> memref<128xi32, #tpu.memory_space<hbm>>
        tpu.wait_dma2 semaphore(%run_scoped3A_197 : memref<!tpu.dma_semaphore, #tpu.memory_space<semaphore_mem>>) src(%dma_wait3A_209 : memref<128xi32, #tpu.memory_space<hbm>>) dst(%arg6 : memref<128xi32, #tpu.memory_space<vmem>>)
        tpu.yield
      }) : () -> ()
      %run_scoped3A_83 = arith.constant 4 : i32
      "tpu.region"() ({
        %run_scoped3A_197 = tpu.sem_alloc : memref<!tpu.dma_semaphore, #tpu.memory_space<semaphore_mem>>
        %dma_start3A_198 = arith.constant 0 : i32
        %dma_start3A_199 = arith.constant 0 : i32
        %dma_start3A_200 = tpu.memref_slice %arg4[%add3A_9, %run_scoped3A_83, %dma_start3A_198, %dma_start3A_199] : memref<10240x8x128x16xf32, #tpu.memory_space<hbm>> -> memref<1x1x128x16xf32, #tpu.memory_space<hbm>>
        %dma_start3A_201 = tpu.memref_squeeze %dma_start3A_200 : memref<1x1x128x16xf32, #tpu.memory_space<hbm>> -> memref<128x16xf32, #tpu.memory_space<hbm>>
        %dma_start3A_202 = arith.constant 0 : i32
        %dma_start3A_203 = arith.constant 0 : i32
        %dma_start3A_204 = tpu.memref_slice %arg4[%add3A_9, %run_scoped3A_83, %dma_start3A_202, %dma_start3A_203] : memref<10240x8x128x16xf32, #tpu.memory_space<hbm>> -> memref<1x1x128x16xf32, #tpu.memory_space<hbm>>
        %dma_start3A_205 = tpu.memref_squeeze %dma_start3A_204 : memref<1x1x128x16xf32, #tpu.memory_space<hbm>> -> memref<128x16xf32, #tpu.memory_space<hbm>>
        tpu.enqueue_dma source(%dma_start3A_205 : memref<128x16xf32, #tpu.memory_space<hbm>>) target(%arg10 : memref<128x16xf32, #tpu.memory_space<vmem>>) target_semaphore(%run_scoped3A_197 : memref<!tpu.dma_semaphore, #tpu.memory_space<semaphore_mem>>)
        %dma_wait3A_206 = arith.constant 0 : i32
        %dma_wait3A_207 = arith.constant 0 : i32
        %dma_wait3A_208 = tpu.memref_slice %arg4[%add3A_9, %run_scoped3A_83, %dma_wait3A_206, %dma_wait3A_207] : memref<10240x8x128x16xf32, #tpu.memory_space<hbm>> -> memref<1x1x128x16xf32, #tpu.memory_space<hbm>>
        %dma_wait3A_209 = tpu.memref_squeeze %dma_wait3A_208 : memref<1x1x128x16xf32, #tpu.memory_space<hbm>> -> memref<128x16xf32, #tpu.memory_space<hbm>>
        %dma_wait3A_210 = arith.constant 0 : i32
        %dma_wait3A_211 = arith.constant 0 : i32
        %dma_wait3A_212 = tpu.memref_slice %arg4[%add3A_9, %run_scoped3A_83, %dma_wait3A_210, %dma_wait3A_211] : memref<10240x8x128x16xf32, #tpu.memory_space<hbm>> -> memref<1x1x128x16xf32, #tpu.memory_space<hbm>>
        %dma_wait3A_213 = tpu.memref_squeeze %dma_wait3A_212 : memref<1x1x128x16xf32, #tpu.memory_space<hbm>> -> memref<128x16xf32, #tpu.memory_space<hbm>>
        tpu.wait_dma2 semaphore(%run_scoped3A_197 : memref<!tpu.dma_semaphore, #tpu.memory_space<semaphore_mem>>) src(%dma_wait3A_213 : memref<128x16xf32, #tpu.memory_space<hbm>>) dst(%arg10 : memref<128x16xf32, #tpu.memory_space<vmem>>)
        tpu.yield
      }) : () -> ()
      %dma_start3A_84 = arith.constant 0 : i32
      %dma_start3A_85 = arith.constant 0 : i32
      %dma_start3A_86 = tpu.memref_slice %arg2[%dma_start3A_84, %dma_start3A_85] : memref<61650x128xf32, #tpu.memory_space<hbm>> -> memref<61650x128xf32, #tpu.memory_space<hbm>>
      tpu.enqueue_indirect_dma source(%dma_start3A_86 : memref<61650x128xf32, #tpu.memory_space<hbm>>) target(%arg8 : memref<128x128xf32, #tpu.memory_space<vmem>>) offsets(%arg6 : memref<128xi32, #tpu.memory_space<vmem>>) semaphore(%arg13 : memref<!tpu.dma_semaphore, #tpu.memory_space<semaphore_mem>>)
      %dma_wait3A_87 = arith.constant 0 : i32
      %dma_wait3A_88 = arith.constant 0 : i32
      %dma_wait3A_89 = tpu.memref_slice %arg2[%dma_wait3A_87, %dma_wait3A_88] : memref<61650x128xf32, #tpu.memory_space<hbm>> -> memref<61650x128xf32, #tpu.memory_space<hbm>>
      tpu.wait_indirect_dma semaphore(%arg14 : memref<!tpu.dma_semaphore, #tpu.memory_space<semaphore_mem>>) src(%dma_wait3A_89 : memref<61650x128xf32, #tpu.memory_space<hbm>>) dst(%arg9 : memref<128x128xf32, #tpu.memory_space<vmem>>)
      %broadcast_in_dim3A_90 = arith.constant 0.000000e+00 : f32
      %broadcast_in_dim3A_91 = vector.broadcast %broadcast_in_dim3A_90 : f32 to vector<16xf32>
      %scan3A_92 = arith.constant 0 : i32
      %scan3A_93 = arith.constant 128 : i32
      %scan3A_94 = arith.addi %scan3A_92, %scan3A_93 : i32
      %scan3A_95 = arith.constant 1 : i32
      %scan3A_96:2 = scf.for %scan3A_197 = %scan3A_92 to %scan3A_94 step %scan3A_95 iter_args(%scan3A_198 = %broadcast_in_dim3A_91, %scan3A_199 = %broadcast_in_dim3A_91) -> (vector<16xf32>, vector<16xf32>)  : i32 {
        %get3A = arith.index_cast %scan3A_197 : i32 to index
        %get3A_200 = arith.constant 0 : index
        %get3A_201 = tpu.vector_load %arg11[%get3A, %get3A_200] {strides = array<i32>} : memref<128x16xf32, #tpu.memory_space<vmem>>, vector<1x16xf32>,
        %get3A_202 = vector.shape_cast %get3A_201 : vector<1x16xf32> to vector<16xf32>
        %get3A_203 = arith.index_cast %scan3A_197 : i32 to index
        %get3A_204 = arith.constant 96 : index
        %get3A_205 = tpu.vector_load %arg9[%get3A_203, %get3A_204] {strides = array<i32>} : memref<128x128xf32, #tpu.memory_space<vmem>>, vector<1x16xf32>,
        %get3A_206 = vector.shape_cast %get3A_205 : vector<1x16xf32> to vector<16xf32>
        %get3A_207 = arith.index_cast %scan3A_197 : i32 to index
        %get3A_208 = arith.constant 112 : index
        %get3A_209 = tpu.vector_load %arg9[%get3A_207, %get3A_208] {strides = array<i32>} : memref<128x128xf32, #tpu.memory_space<vmem>>, vector<1x16xf32>,
        %get3A_210 = vector.shape_cast %get3A_209 : vector<1x16xf32> to vector<16xf32>
        %mul3A_211 = arith.mulf %get3A_202, %get3A_206 : vector<16xf32>
        %add3A_212 = arith.addf %scan3A_198, %mul3A_211 : vector<16xf32>
        %mul3A_213 = arith.mulf %get3A_202, %get3A_210 : vector<16xf32>
        %add3A_214 = arith.addf %scan3A_199, %mul3A_213 : vector<16xf32>
        scf.yield %add3A_212, %add3A_214 : vector<16xf32>, vector<16xf32>
      }
      %scan3A_97 = arith.constant 128 : i32
      %swap3A_98 = arith.constant 96 : index
      %swap3A_99 = tpu.vector_load %arg12[%swap3A_98] {strides = array<i32>} : memref<256xf32, #tpu.memory_space<vmem>>, vector<16xf32>,
      %swap3A_100 = vector.shape_cast %swap3A_99 : vector<16xf32> to vector<16xf32>
      %swap3A_101 = vector.shape_cast %scan3A_96#0 : vector<16xf32> to vector<16xf32>
      tpu.vector_store %arg12[%swap3A_98], %swap3A_101 {strides = array<i32>} : memref<256xf32, #tpu.memory_space<vmem>>, vector<16xf32>,
      %swap3A_102 = arith.constant 112 : index
      %swap3A_103 = tpu.vector_load %arg12[%swap3A_102] {strides = array<i32>} : memref<256xf32, #tpu.memory_space<vmem>>, vector<16xf32>,
      %swap3A_104 = vector.shape_cast %swap3A_103 : vector<16xf32> to vector<16xf32>
      %swap3A_105 = vector.shape_cast %scan3A_96#1 : vector<16xf32> to vector<16xf32>
      tpu.vector_store %arg12[%swap3A_102], %swap3A_105 {strides = array<i32>} : memref<256xf32, #tpu.memory_space<vmem>>, vector<16xf32>,
      %run_scoped3A_106 = arith.constant 5 : i32
      "tpu.region"() ({
        %run_scoped3A_197 = tpu.sem_alloc : memref<!tpu.dma_semaphore, #tpu.memory_space<semaphore_mem>>
        %dma_start3A_198 = arith.constant 0 : i32
        %dma_start3A_199 = tpu.memref_slice %arg3[%add3A_9, %run_scoped3A_106, %dma_start3A_198] : memref<10240x8x128xi32, #tpu.memory_space<hbm>> -> memref<1x1x128xi32, #tpu.memory_space<hbm>>
        %dma_start3A_200 = tpu.memref_squeeze %dma_start3A_199 : memref<1x1x128xi32, #tpu.memory_space<hbm>> -> memref<128xi32, #tpu.memory_space<hbm>>
        %dma_start3A_201 = arith.constant 0 : i32
        %dma_start3A_202 = tpu.memref_slice %arg3[%add3A_9, %run_scoped3A_106, %dma_start3A_201] : memref<10240x8x128xi32, #tpu.memory_space<hbm>> -> memref<1x1x128xi32, #tpu.memory_space<hbm>>
        %dma_start3A_203 = tpu.memref_squeeze %dma_start3A_202 : memref<1x1x128xi32, #tpu.memory_space<hbm>> -> memref<128xi32, #tpu.memory_space<hbm>>
        tpu.enqueue_dma source(%dma_start3A_203 : memref<128xi32, #tpu.memory_space<hbm>>) target(%arg7 : memref<128xi32, #tpu.memory_space<vmem>>) target_semaphore(%run_scoped3A_197 : memref<!tpu.dma_semaphore, #tpu.memory_space<semaphore_mem>>)
        %dma_wait3A_204 = arith.constant 0 : i32
        %dma_wait3A_205 = tpu.memref_slice %arg3[%add3A_9, %run_scoped3A_106, %dma_wait3A_204] : memref<10240x8x128xi32, #tpu.memory_space<hbm>> -> memref<1x1x128xi32, #tpu.memory_space<hbm>>
        %dma_wait3A_206 = tpu.memref_squeeze %dma_wait3A_205 : memref<1x1x128xi32, #tpu.memory_space<hbm>> -> memref<128xi32, #tpu.memory_space<hbm>>
        %dma_wait3A_207 = arith.constant 0 : i32
        %dma_wait3A_208 = tpu.memref_slice %arg3[%add3A_9, %run_scoped3A_106, %dma_wait3A_207] : memref<10240x8x128xi32, #tpu.memory_space<hbm>> -> memref<1x1x128xi32, #tpu.memory_space<hbm>>
        %dma_wait3A_209 = tpu.memref_squeeze %dma_wait3A_208 : memref<1x1x128xi32, #tpu.memory_space<hbm>> -> memref<128xi32, #tpu.memory_space<hbm>>
        tpu.wait_dma2 semaphore(%run_scoped3A_197 : memref<!tpu.dma_semaphore, #tpu.memory_space<semaphore_mem>>) src(%dma_wait3A_209 : memref<128xi32, #tpu.memory_space<hbm>>) dst(%arg7 : memref<128xi32, #tpu.memory_space<vmem>>)
        tpu.yield
      }) : () -> ()
      %run_scoped3A_107 = arith.constant 5 : i32
      "tpu.region"() ({
        %run_scoped3A_197 = tpu.sem_alloc : memref<!tpu.dma_semaphore, #tpu.memory_space<semaphore_mem>>
        %dma_start3A_198 = arith.constant 0 : i32
        %dma_start3A_199 = arith.constant 0 : i32
        %dma_start3A_200 = tpu.memref_slice %arg4[%add3A_9, %run_scoped3A_107, %dma_start3A_198, %dma_start3A_199] : memref<10240x8x128x16xf32, #tpu.memory_space<hbm>> -> memref<1x1x128x16xf32, #tpu.memory_space<hbm>>
        %dma_start3A_201 = tpu.memref_squeeze %dma_start3A_200 : memref<1x1x128x16xf32, #tpu.memory_space<hbm>> -> memref<128x16xf32, #tpu.memory_space<hbm>>
        %dma_start3A_202 = arith.constant 0 : i32
        %dma_start3A_203 = arith.constant 0 : i32
        %dma_start3A_204 = tpu.memref_slice %arg4[%add3A_9, %run_scoped3A_107, %dma_start3A_202, %dma_start3A_203] : memref<10240x8x128x16xf32, #tpu.memory_space<hbm>> -> memref<1x1x128x16xf32, #tpu.memory_space<hbm>>
        %dma_start3A_205 = tpu.memref_squeeze %dma_start3A_204 : memref<1x1x128x16xf32, #tpu.memory_space<hbm>> -> memref<128x16xf32, #tpu.memory_space<hbm>>
        tpu.enqueue_dma source(%dma_start3A_205 : memref<128x16xf32, #tpu.memory_space<hbm>>) target(%arg11 : memref<128x16xf32, #tpu.memory_space<vmem>>) target_semaphore(%run_scoped3A_197 : memref<!tpu.dma_semaphore, #tpu.memory_space<semaphore_mem>>)
        %dma_wait3A_206 = arith.constant 0 : i32
        %dma_wait3A_207 = arith.constant 0 : i32
        %dma_wait3A_208 = tpu.memref_slice %arg4[%add3A_9, %run_scoped3A_107, %dma_wait3A_206, %dma_wait3A_207] : memref<10240x8x128x16xf32, #tpu.memory_space<hbm>> -> memref<1x1x128x16xf32, #tpu.memory_space<hbm>>
        %dma_wait3A_209 = tpu.memref_squeeze %dma_wait3A_208 : memref<1x1x128x16xf32, #tpu.memory_space<hbm>> -> memref<128x16xf32, #tpu.memory_space<hbm>>
        %dma_wait3A_210 = arith.constant 0 : i32
        %dma_wait3A_211 = arith.constant 0 : i32
        %dma_wait3A_212 = tpu.memref_slice %arg4[%add3A_9, %run_scoped3A_107, %dma_wait3A_210, %dma_wait3A_211] : memref<10240x8x128x16xf32, #tpu.memory_space<hbm>> -> memref<1x1x128x16xf32, #tpu.memory_space<hbm>>
        %dma_wait3A_213 = tpu.memref_squeeze %dma_wait3A_212 : memref<1x1x128x16xf32, #tpu.memory_space<hbm>> -> memref<128x16xf32, #tpu.memory_space<hbm>>
        tpu.wait_dma2 semaphore(%run_scoped3A_197 : memref<!tpu.dma_semaphore, #tpu.memory_space<semaphore_mem>>) src(%dma_wait3A_213 : memref<128x16xf32, #tpu.memory_space<hbm>>) dst(%arg11 : memref<128x16xf32, #tpu.memory_space<vmem>>)
        tpu.yield
      }) : () -> ()
      %dma_start3A_108 = arith.constant 0 : i32
      %dma_start3A_109 = arith.constant 0 : i32
      %dma_start3A_110 = tpu.memref_slice %arg2[%dma_start3A_108, %dma_start3A_109] : memref<61650x128xf32, #tpu.memory_space<hbm>> -> memref<61650x128xf32, #tpu.memory_space<hbm>>
      tpu.enqueue_indirect_dma source(%dma_start3A_110 : memref<61650x128xf32, #tpu.memory_space<hbm>>) target(%arg9 : memref<128x128xf32, #tpu.memory_space<vmem>>) offsets(%arg7 : memref<128xi32, #tpu.memory_space<vmem>>) semaphore(%arg14 : memref<!tpu.dma_semaphore, #tpu.memory_space<semaphore_mem>>)
      %dma_wait3A_111 = arith.constant 0 : i32
      %dma_wait3A_112 = arith.constant 0 : i32
      %dma_wait3A_113 = tpu.memref_slice %arg2[%dma_wait3A_111, %dma_wait3A_112] : memref<61650x128xf32, #tpu.memory_space<hbm>> -> memref<61650x128xf32, #tpu.memory_space<hbm>>
      tpu.wait_indirect_dma semaphore(%arg13 : memref<!tpu.dma_semaphore, #tpu.memory_space<semaphore_mem>>) src(%dma_wait3A_113 : memref<61650x128xf32, #tpu.memory_space<hbm>>) dst(%arg8 : memref<128x128xf32, #tpu.memory_space<vmem>>)
      %broadcast_in_dim3A_114 = arith.constant 0.000000e+00 : f32
      %broadcast_in_dim3A_115 = vector.broadcast %broadcast_in_dim3A_114 : f32 to vector<16xf32>
      %scan3A_116 = arith.constant 0 : i32
      %scan3A_117 = arith.constant 128 : i32
      %scan3A_118 = arith.addi %scan3A_116, %scan3A_117 : i32
      %scan3A_119 = arith.constant 1 : i32
      %scan3A_120:2 = scf.for %scan3A_197 = %scan3A_116 to %scan3A_118 step %scan3A_119 iter_args(%scan3A_198 = %broadcast_in_dim3A_115, %scan3A_199 = %broadcast_in_dim3A_115) -> (vector<16xf32>, vector<16xf32>)  : i32 {
        %get3A = arith.index_cast %scan3A_197 : i32 to index
        %get3A_200 = arith.constant 0 : index
        %get3A_201 = tpu.vector_load %arg10[%get3A, %get3A_200] {strides = array<i32>} : memref<128x16xf32, #tpu.memory_space<vmem>>, vector<1x16xf32>,
        %get3A_202 = vector.shape_cast %get3A_201 : vector<1x16xf32> to vector<16xf32>
        %get3A_203 = arith.index_cast %scan3A_197 : i32 to index
        %get3A_204 = arith.constant 0 : index
        %get3A_205 = tpu.vector_load %arg8[%get3A_203, %get3A_204] {strides = array<i32>} : memref<128x128xf32, #tpu.memory_space<vmem>>, vector<1x16xf32>,
        %get3A_206 = vector.shape_cast %get3A_205 : vector<1x16xf32> to vector<16xf32>
        %get3A_207 = arith.index_cast %scan3A_197 : i32 to index
        %get3A_208 = arith.constant 16 : index
        %get3A_209 = tpu.vector_load %arg8[%get3A_207, %get3A_208] {strides = array<i32>} : memref<128x128xf32, #tpu.memory_space<vmem>>, vector<1x16xf32>,
        %get3A_210 = vector.shape_cast %get3A_209 : vector<1x16xf32> to vector<16xf32>
        %mul3A_211 = arith.mulf %get3A_202, %get3A_206 : vector<16xf32>
        %add3A_212 = arith.addf %scan3A_198, %mul3A_211 : vector<16xf32>
        %mul3A_213 = arith.mulf %get3A_202, %get3A_210 : vector<16xf32>
        %add3A_214 = arith.addf %scan3A_199, %mul3A_213 : vector<16xf32>
        scf.yield %add3A_212, %add3A_214 : vector<16xf32>, vector<16xf32>
      }
      %scan3A_121 = arith.constant 128 : i32
      %swap3A_122 = arith.constant 128 : index
      %swap3A_123 = tpu.vector_load %arg12[%swap3A_122] {strides = array<i32>} : memref<256xf32, #tpu.memory_space<vmem>>, vector<16xf32>,
      %swap3A_124 = vector.shape_cast %swap3A_123 : vector<16xf32> to vector<16xf32>
      %swap3A_125 = vector.shape_cast %scan3A_120#0 : vector<16xf32> to vector<16xf32>
      tpu.vector_store %arg12[%swap3A_122], %swap3A_125 {strides = array<i32>} : memref<256xf32, #tpu.memory_space<vmem>>, vector<16xf32>,
      %swap3A_126 = arith.constant 144 : index
      %swap3A_127 = tpu.vector_load %arg12[%swap3A_126] {strides = array<i32>} : memref<256xf32, #tpu.memory_space<vmem>>, vector<16xf32>,
      %swap3A_128 = vector.shape_cast %swap3A_127 : vector<16xf32> to vector<16xf32>
      %swap3A_129 = vector.shape_cast %scan3A_120#1 : vector<16xf32> to vector<16xf32>
      tpu.vector_store %arg12[%swap3A_126], %swap3A_129 {strides = array<i32>} : memref<256xf32, #tpu.memory_space<vmem>>, vector<16xf32>,
      %run_scoped3A_130 = arith.constant 6 : i32
      "tpu.region"() ({
        %run_scoped3A_197 = tpu.sem_alloc : memref<!tpu.dma_semaphore, #tpu.memory_space<semaphore_mem>>
        %dma_start3A_198 = arith.constant 0 : i32
        %dma_start3A_199 = tpu.memref_slice %arg3[%add3A_9, %run_scoped3A_130, %dma_start3A_198] : memref<10240x8x128xi32, #tpu.memory_space<hbm>> -> memref<1x1x128xi32, #tpu.memory_space<hbm>>
        %dma_start3A_200 = tpu.memref_squeeze %dma_start3A_199 : memref<1x1x128xi32, #tpu.memory_space<hbm>> -> memref<128xi32, #tpu.memory_space<hbm>>
        %dma_start3A_201 = arith.constant 0 : i32
        %dma_start3A_202 = tpu.memref_slice %arg3[%add3A_9, %run_scoped3A_130, %dma_start3A_201] : memref<10240x8x128xi32, #tpu.memory_space<hbm>> -> memref<1x1x128xi32, #tpu.memory_space<hbm>>
        %dma_start3A_203 = tpu.memref_squeeze %dma_start3A_202 : memref<1x1x128xi32, #tpu.memory_space<hbm>> -> memref<128xi32, #tpu.memory_space<hbm>>
        tpu.enqueue_dma source(%dma_start3A_203 : memref<128xi32, #tpu.memory_space<hbm>>) target(%arg6 : memref<128xi32, #tpu.memory_space<vmem>>) target_semaphore(%run_scoped3A_197 : memref<!tpu.dma_semaphore, #tpu.memory_space<semaphore_mem>>)
        %dma_wait3A_204 = arith.constant 0 : i32
        %dma_wait3A_205 = tpu.memref_slice %arg3[%add3A_9, %run_scoped3A_130, %dma_wait3A_204] : memref<10240x8x128xi32, #tpu.memory_space<hbm>> -> memref<1x1x128xi32, #tpu.memory_space<hbm>>
        %dma_wait3A_206 = tpu.memref_squeeze %dma_wait3A_205 : memref<1x1x128xi32, #tpu.memory_space<hbm>> -> memref<128xi32, #tpu.memory_space<hbm>>
        %dma_wait3A_207 = arith.constant 0 : i32
        %dma_wait3A_208 = tpu.memref_slice %arg3[%add3A_9, %run_scoped3A_130, %dma_wait3A_207] : memref<10240x8x128xi32, #tpu.memory_space<hbm>> -> memref<1x1x128xi32, #tpu.memory_space<hbm>>
        %dma_wait3A_209 = tpu.memref_squeeze %dma_wait3A_208 : memref<1x1x128xi32, #tpu.memory_space<hbm>> -> memref<128xi32, #tpu.memory_space<hbm>>
        tpu.wait_dma2 semaphore(%run_scoped3A_197 : memref<!tpu.dma_semaphore, #tpu.memory_space<semaphore_mem>>) src(%dma_wait3A_209 : memref<128xi32, #tpu.memory_space<hbm>>) dst(%arg6 : memref<128xi32, #tpu.memory_space<vmem>>)
        tpu.yield
      }) : () -> ()
      %run_scoped3A_131 = arith.constant 6 : i32
      "tpu.region"() ({
        %run_scoped3A_197 = tpu.sem_alloc : memref<!tpu.dma_semaphore, #tpu.memory_space<semaphore_mem>>
        %dma_start3A_198 = arith.constant 0 : i32
        %dma_start3A_199 = arith.constant 0 : i32
        %dma_start3A_200 = tpu.memref_slice %arg4[%add3A_9, %run_scoped3A_131, %dma_start3A_198, %dma_start3A_199] : memref<10240x8x128x16xf32, #tpu.memory_space<hbm>> -> memref<1x1x128x16xf32, #tpu.memory_space<hbm>>
        %dma_start3A_201 = tpu.memref_squeeze %dma_start3A_200 : memref<1x1x128x16xf32, #tpu.memory_space<hbm>> -> memref<128x16xf32, #tpu.memory_space<hbm>>
        %dma_start3A_202 = arith.constant 0 : i32
        %dma_start3A_203 = arith.constant 0 : i32
        %dma_start3A_204 = tpu.memref_slice %arg4[%add3A_9, %run_scoped3A_131, %dma_start3A_202, %dma_start3A_203] : memref<10240x8x128x16xf32, #tpu.memory_space<hbm>> -> memref<1x1x128x16xf32, #tpu.memory_space<hbm>>
        %dma_start3A_205 = tpu.memref_squeeze %dma_start3A_204 : memref<1x1x128x16xf32, #tpu.memory_space<hbm>> -> memref<128x16xf32, #tpu.memory_space<hbm>>
        tpu.enqueue_dma source(%dma_start3A_205 : memref<128x16xf32, #tpu.memory_space<hbm>>) target(%arg10 : memref<128x16xf32, #tpu.memory_space<vmem>>) target_semaphore(%run_scoped3A_197 : memref<!tpu.dma_semaphore, #tpu.memory_space<semaphore_mem>>)
        %dma_wait3A_206 = arith.constant 0 : i32
        %dma_wait3A_207 = arith.constant 0 : i32
        %dma_wait3A_208 = tpu.memref_slice %arg4[%add3A_9, %run_scoped3A_131, %dma_wait3A_206, %dma_wait3A_207] : memref<10240x8x128x16xf32, #tpu.memory_space<hbm>> -> memref<1x1x128x16xf32, #tpu.memory_space<hbm>>
        %dma_wait3A_209 = tpu.memref_squeeze %dma_wait3A_208 : memref<1x1x128x16xf32, #tpu.memory_space<hbm>> -> memref<128x16xf32, #tpu.memory_space<hbm>>
        %dma_wait3A_210 = arith.constant 0 : i32
        %dma_wait3A_211 = arith.constant 0 : i32
        %dma_wait3A_212 = tpu.memref_slice %arg4[%add3A_9, %run_scoped3A_131, %dma_wait3A_210, %dma_wait3A_211] : memref<10240x8x128x16xf32, #tpu.memory_space<hbm>> -> memref<1x1x128x16xf32, #tpu.memory_space<hbm>>
        %dma_wait3A_213 = tpu.memref_squeeze %dma_wait3A_212 : memref<1x1x128x16xf32, #tpu.memory_space<hbm>> -> memref<128x16xf32, #tpu.memory_space<hbm>>
        tpu.wait_dma2 semaphore(%run_scoped3A_197 : memref<!tpu.dma_semaphore, #tpu.memory_space<semaphore_mem>>) src(%dma_wait3A_213 : memref<128x16xf32, #tpu.memory_space<hbm>>) dst(%arg10 : memref<128x16xf32, #tpu.memory_space<vmem>>)
        tpu.yield
      }) : () -> ()
      %dma_start3A_132 = arith.constant 0 : i32
      %dma_start3A_133 = arith.constant 0 : i32
      %dma_start3A_134 = tpu.memref_slice %arg2[%dma_start3A_132, %dma_start3A_133] : memref<61650x128xf32, #tpu.memory_space<hbm>> -> memref<61650x128xf32, #tpu.memory_space<hbm>>
      tpu.enqueue_indirect_dma source(%dma_start3A_134 : memref<61650x128xf32, #tpu.memory_space<hbm>>) target(%arg8 : memref<128x128xf32, #tpu.memory_space<vmem>>) offsets(%arg6 : memref<128xi32, #tpu.memory_space<vmem>>) semaphore(%arg13 : memref<!tpu.dma_semaphore, #tpu.memory_space<semaphore_mem>>)
      %dma_wait3A_135 = arith.constant 0 : i32
      %dma_wait3A_136 = arith.constant 0 : i32
      %dma_wait3A_137 = tpu.memref_slice %arg2[%dma_wait3A_135, %dma_wait3A_136] : memref<61650x128xf32, #tpu.memory_space<hbm>> -> memref<61650x128xf32, #tpu.memory_space<hbm>>
      tpu.wait_indirect_dma semaphore(%arg14 : memref<!tpu.dma_semaphore, #tpu.memory_space<semaphore_mem>>) src(%dma_wait3A_137 : memref<61650x128xf32, #tpu.memory_space<hbm>>) dst(%arg9 : memref<128x128xf32, #tpu.memory_space<vmem>>)
      %broadcast_in_dim3A_138 = arith.constant 0.000000e+00 : f32
      %broadcast_in_dim3A_139 = vector.broadcast %broadcast_in_dim3A_138 : f32 to vector<16xf32>
      %scan3A_140 = arith.constant 0 : i32
      %scan3A_141 = arith.constant 128 : i32
      %scan3A_142 = arith.addi %scan3A_140, %scan3A_141 : i32
      %scan3A_143 = arith.constant 1 : i32
      %scan3A_144:2 = scf.for %scan3A_197 = %scan3A_140 to %scan3A_142 step %scan3A_143 iter_args(%scan3A_198 = %broadcast_in_dim3A_139, %scan3A_199 = %broadcast_in_dim3A_139) -> (vector<16xf32>, vector<16xf32>)  : i32 {
        %get3A = arith.index_cast %scan3A_197 : i32 to index
        %get3A_200 = arith.constant 0 : index
        %get3A_201 = tpu.vector_load %arg11[%get3A, %get3A_200] {strides = array<i32>} : memref<128x16xf32, #tpu.memory_space<vmem>>, vector<1x16xf32>,
        %get3A_202 = vector.shape_cast %get3A_201 : vector<1x16xf32> to vector<16xf32>
        %get3A_203 = arith.index_cast %scan3A_197 : i32 to index
        %get3A_204 = arith.constant 32 : index
        %get3A_205 = tpu.vector_load %arg9[%get3A_203, %get3A_204] {strides = array<i32>} : memref<128x128xf32, #tpu.memory_space<vmem>>, vector<1x16xf32>,
        %get3A_206 = vector.shape_cast %get3A_205 : vector<1x16xf32> to vector<16xf32>
        %get3A_207 = arith.index_cast %scan3A_197 : i32 to index
        %get3A_208 = arith.constant 48 : index
        %get3A_209 = tpu.vector_load %arg9[%get3A_207, %get3A_208] {strides = array<i32>} : memref<128x128xf32, #tpu.memory_space<vmem>>, vector<1x16xf32>,
        %get3A_210 = vector.shape_cast %get3A_209 : vector<1x16xf32> to vector<16xf32>
        %mul3A_211 = arith.mulf %get3A_202, %get3A_206 : vector<16xf32>
        %add3A_212 = arith.addf %scan3A_198, %mul3A_211 : vector<16xf32>
        %mul3A_213 = arith.mulf %get3A_202, %get3A_210 : vector<16xf32>
        %add3A_214 = arith.addf %scan3A_199, %mul3A_213 : vector<16xf32>
        scf.yield %add3A_212, %add3A_214 : vector<16xf32>, vector<16xf32>
      }
      %scan3A_145 = arith.constant 128 : i32
      %swap3A_146 = arith.constant 160 : index
      %swap3A_147 = tpu.vector_load %arg12[%swap3A_146] {strides = array<i32>} : memref<256xf32, #tpu.memory_space<vmem>>, vector<16xf32>,
      %swap3A_148 = vector.shape_cast %swap3A_147 : vector<16xf32> to vector<16xf32>
      %swap3A_149 = vector.shape_cast %scan3A_144#0 : vector<16xf32> to vector<16xf32>
      tpu.vector_store %arg12[%swap3A_146], %swap3A_149 {strides = array<i32>} : memref<256xf32, #tpu.memory_space<vmem>>, vector<16xf32>,
      %swap3A_150 = arith.constant 176 : index
      %swap3A_151 = tpu.vector_load %arg12[%swap3A_150] {strides = array<i32>} : memref<256xf32, #tpu.memory_space<vmem>>, vector<16xf32>,
      %swap3A_152 = vector.shape_cast %swap3A_151 : vector<16xf32> to vector<16xf32>
      %swap3A_153 = vector.shape_cast %scan3A_144#1 : vector<16xf32> to vector<16xf32>
      tpu.vector_store %arg12[%swap3A_150], %swap3A_153 {strides = array<i32>} : memref<256xf32, #tpu.memory_space<vmem>>, vector<16xf32>,
      %run_scoped3A_154 = arith.constant 7 : i32
      "tpu.region"() ({
        %run_scoped3A_197 = tpu.sem_alloc : memref<!tpu.dma_semaphore, #tpu.memory_space<semaphore_mem>>
        %dma_start3A_198 = arith.constant 0 : i32
        %dma_start3A_199 = tpu.memref_slice %arg3[%add3A_9, %run_scoped3A_154, %dma_start3A_198] : memref<10240x8x128xi32, #tpu.memory_space<hbm>> -> memref<1x1x128xi32, #tpu.memory_space<hbm>>
        %dma_start3A_200 = tpu.memref_squeeze %dma_start3A_199 : memref<1x1x128xi32, #tpu.memory_space<hbm>> -> memref<128xi32, #tpu.memory_space<hbm>>
        %dma_start3A_201 = arith.constant 0 : i32
        %dma_start3A_202 = tpu.memref_slice %arg3[%add3A_9, %run_scoped3A_154, %dma_start3A_201] : memref<10240x8x128xi32, #tpu.memory_space<hbm>> -> memref<1x1x128xi32, #tpu.memory_space<hbm>>
        %dma_start3A_203 = tpu.memref_squeeze %dma_start3A_202 : memref<1x1x128xi32, #tpu.memory_space<hbm>> -> memref<128xi32, #tpu.memory_space<hbm>>
        tpu.enqueue_dma source(%dma_start3A_203 : memref<128xi32, #tpu.memory_space<hbm>>) target(%arg7 : memref<128xi32, #tpu.memory_space<vmem>>) target_semaphore(%run_scoped3A_197 : memref<!tpu.dma_semaphore, #tpu.memory_space<semaphore_mem>>)
        %dma_wait3A_204 = arith.constant 0 : i32
        %dma_wait3A_205 = tpu.memref_slice %arg3[%add3A_9, %run_scoped3A_154, %dma_wait3A_204] : memref<10240x8x128xi32, #tpu.memory_space<hbm>> -> memref<1x1x128xi32, #tpu.memory_space<hbm>>
        %dma_wait3A_206 = tpu.memref_squeeze %dma_wait3A_205 : memref<1x1x128xi32, #tpu.memory_space<hbm>> -> memref<128xi32, #tpu.memory_space<hbm>>
        %dma_wait3A_207 = arith.constant 0 : i32
        %dma_wait3A_208 = tpu.memref_slice %arg3[%add3A_9, %run_scoped3A_154, %dma_wait3A_207] : memref<10240x8x128xi32, #tpu.memory_space<hbm>> -> memref<1x1x128xi32, #tpu.memory_space<hbm>>
        %dma_wait3A_209 = tpu.memref_squeeze %dma_wait3A_208 : memref<1x1x128xi32, #tpu.memory_space<hbm>> -> memref<128xi32, #tpu.memory_space<hbm>>
        tpu.wait_dma2 semaphore(%run_scoped3A_197 : memref<!tpu.dma_semaphore, #tpu.memory_space<semaphore_mem>>) src(%dma_wait3A_209 : memref<128xi32, #tpu.memory_space<hbm>>) dst(%arg7 : memref<128xi32, #tpu.memory_space<vmem>>)
        tpu.yield
      }) : () -> ()
      %run_scoped3A_155 = arith.constant 7 : i32
      "tpu.region"() ({
        %run_scoped3A_197 = tpu.sem_alloc : memref<!tpu.dma_semaphore, #tpu.memory_space<semaphore_mem>>
        %dma_start3A_198 = arith.constant 0 : i32
        %dma_start3A_199 = arith.constant 0 : i32
        %dma_start3A_200 = tpu.memref_slice %arg4[%add3A_9, %run_scoped3A_155, %dma_start3A_198, %dma_start3A_199] : memref<10240x8x128x16xf32, #tpu.memory_space<hbm>> -> memref<1x1x128x16xf32, #tpu.memory_space<hbm>>
        %dma_start3A_201 = tpu.memref_squeeze %dma_start3A_200 : memref<1x1x128x16xf32, #tpu.memory_space<hbm>> -> memref<128x16xf32, #tpu.memory_space<hbm>>
        %dma_start3A_202 = arith.constant 0 : i32
        %dma_start3A_203 = arith.constant 0 : i32
        %dma_start3A_204 = tpu.memref_slice %arg4[%add3A_9, %run_scoped3A_155, %dma_start3A_202, %dma_start3A_203] : memref<10240x8x128x16xf32, #tpu.memory_space<hbm>> -> memref<1x1x128x16xf32, #tpu.memory_space<hbm>>
        %dma_start3A_205 = tpu.memref_squeeze %dma_start3A_204 : memref<1x1x128x16xf32, #tpu.memory_space<hbm>> -> memref<128x16xf32, #tpu.memory_space<hbm>>
        tpu.enqueue_dma source(%dma_start3A_205 : memref<128x16xf32, #tpu.memory_space<hbm>>) target(%arg11 : memref<128x16xf32, #tpu.memory_space<vmem>>) target_semaphore(%run_scoped3A_197 : memref<!tpu.dma_semaphore, #tpu.memory_space<semaphore_mem>>)
        %dma_wait3A_206 = arith.constant 0 : i32
        %dma_wait3A_207 = arith.constant 0 : i32
        %dma_wait3A_208 = tpu.memref_slice %arg4[%add3A_9, %run_scoped3A_155, %dma_wait3A_206, %dma_wait3A_207] : memref<10240x8x128x16xf32, #tpu.memory_space<hbm>> -> memref<1x1x128x16xf32, #tpu.memory_space<hbm>>
        %dma_wait3A_209 = tpu.memref_squeeze %dma_wait3A_208 : memref<1x1x128x16xf32, #tpu.memory_space<hbm>> -> memref<128x16xf32, #tpu.memory_space<hbm>>
        %dma_wait3A_210 = arith.constant 0 : i32
        %dma_wait3A_211 = arith.constant 0 : i32
        %dma_wait3A_212 = tpu.memref_slice %arg4[%add3A_9, %run_scoped3A_155, %dma_wait3A_210, %dma_wait3A_211] : memref<10240x8x128x16xf32, #tpu.memory_space<hbm>> -> memref<1x1x128x16xf32, #tpu.memory_space<hbm>>
        %dma_wait3A_213 = tpu.memref_squeeze %dma_wait3A_212 : memref<1x1x128x16xf32, #tpu.memory_space<hbm>> -> memref<128x16xf32, #tpu.memory_space<hbm>>
        tpu.wait_dma2 semaphore(%run_scoped3A_197 : memref<!tpu.dma_semaphore, #tpu.memory_space<semaphore_mem>>) src(%dma_wait3A_213 : memref<128x16xf32, #tpu.memory_space<hbm>>) dst(%arg11 : memref<128x16xf32, #tpu.memory_space<vmem>>)
        tpu.yield
      }) : () -> ()
      %dma_start3A_156 = arith.constant 0 : i32
      %dma_start3A_157 = arith.constant 0 : i32
      %dma_start3A_158 = tpu.memref_slice %arg2[%dma_start3A_156, %dma_start3A_157] : memref<61650x128xf32, #tpu.memory_space<hbm>> -> memref<61650x128xf32, #tpu.memory_space<hbm>>
      tpu.enqueue_indirect_dma source(%dma_start3A_158 : memref<61650x128xf32, #tpu.memory_space<hbm>>) target(%arg9 : memref<128x128xf32, #tpu.memory_space<vmem>>) offsets(%arg7 : memref<128xi32, #tpu.memory_space<vmem>>) semaphore(%arg14 : memref<!tpu.dma_semaphore, #tpu.memory_space<semaphore_mem>>)
      %dma_wait3A_159 = arith.constant 0 : i32
      %dma_wait3A_160 = arith.constant 0 : i32
      %dma_wait3A_161 = tpu.memref_slice %arg2[%dma_wait3A_159, %dma_wait3A_160] : memref<61650x128xf32, #tpu.memory_space<hbm>> -> memref<61650x128xf32, #tpu.memory_space<hbm>>
      tpu.wait_indirect_dma semaphore(%arg13 : memref<!tpu.dma_semaphore, #tpu.memory_space<semaphore_mem>>) src(%dma_wait3A_161 : memref<61650x128xf32, #tpu.memory_space<hbm>>) dst(%arg8 : memref<128x128xf32, #tpu.memory_space<vmem>>)
      %broadcast_in_dim3A_162 = arith.constant 0.000000e+00 : f32
      %broadcast_in_dim3A_163 = vector.broadcast %broadcast_in_dim3A_162 : f32 to vector<16xf32>
      %scan3A_164 = arith.constant 0 : i32
      %scan3A_165 = arith.constant 128 : i32
      %scan3A_166 = arith.addi %scan3A_164, %scan3A_165 : i32
      %scan3A_167 = arith.constant 1 : i32
      %scan3A_168:2 = scf.for %scan3A_197 = %scan3A_164 to %scan3A_166 step %scan3A_167 iter_args(%scan3A_198 = %broadcast_in_dim3A_163, %scan3A_199 = %broadcast_in_dim3A_163) -> (vector<16xf32>, vector<16xf32>)  : i32 {
        %get3A = arith.index_cast %scan3A_197 : i32 to index
        %get3A_200 = arith.constant 0 : index
        %get3A_201 = tpu.vector_load %arg10[%get3A, %get3A_200] {strides = array<i32>} : memref<128x16xf32, #tpu.memory_space<vmem>>, vector<1x16xf32>,
        %get3A_202 = vector.shape_cast %get3A_201 : vector<1x16xf32> to vector<16xf32>
        %get3A_203 = arith.index_cast %scan3A_197 : i32 to index
        %get3A_204 = arith.constant 64 : index
        %get3A_205 = tpu.vector_load %arg8[%get3A_203, %get3A_204] {strides = array<i32>} : memref<128x128xf32, #tpu.memory_space<vmem>>, vector<1x16xf32>,
        %get3A_206 = vector.shape_cast %get3A_205 : vector<1x16xf32> to vector<16xf32>
        %get3A_207 = arith.index_cast %scan3A_197 : i32 to index
        %get3A_208 = arith.constant 80 : index
        %get3A_209 = tpu.vector_load %arg8[%get3A_207, %get3A_208] {strides = array<i32>} : memref<128x128xf32, #tpu.memory_space<vmem>>, vector<1x16xf32>,
        %get3A_210 = vector.shape_cast %get3A_209 : vector<1x16xf32> to vector<16xf32>
        %mul3A_211 = arith.mulf %get3A_202, %get3A_206 : vector<16xf32>
        %add3A_212 = arith.addf %scan3A_198, %mul3A_211 : vector<16xf32>
        %mul3A_213 = arith.mulf %get3A_202, %get3A_210 : vector<16xf32>
        %add3A_214 = arith.addf %scan3A_199, %mul3A_213 : vector<16xf32>
        scf.yield %add3A_212, %add3A_214 : vector<16xf32>, vector<16xf32>
      }
      %scan3A_169 = arith.constant 128 : i32
      %swap3A_170 = arith.constant 192 : index
      %swap3A_171 = tpu.vector_load %arg12[%swap3A_170] {strides = array<i32>} : memref<256xf32, #tpu.memory_space<vmem>>, vector<16xf32>,
      %swap3A_172 = vector.shape_cast %swap3A_171 : vector<16xf32> to vector<16xf32>
      %swap3A_173 = vector.shape_cast %scan3A_168#0 : vector<16xf32> to vector<16xf32>
      tpu.vector_store %arg12[%swap3A_170], %swap3A_173 {strides = array<i32>} : memref<256xf32, #tpu.memory_space<vmem>>, vector<16xf32>,
      %swap3A_174 = arith.constant 208 : index
      %swap3A_175 = tpu.vector_load %arg12[%swap3A_174] {strides = array<i32>} : memref<256xf32, #tpu.memory_space<vmem>>, vector<16xf32>,
      %swap3A_176 = vector.shape_cast %swap3A_175 : vector<16xf32> to vector<16xf32>
      %swap3A_177 = vector.shape_cast %scan3A_168#1 : vector<16xf32> to vector<16xf32>
      tpu.vector_store %arg12[%swap3A_174], %swap3A_177 {strides = array<i32>} : memref<256xf32, #tpu.memory_space<vmem>>, vector<16xf32>,
      %dma_wait3A_178 = arith.constant 0 : i32
      %dma_wait3A_179 = arith.constant 0 : i32
      %dma_wait3A_180 = tpu.memref_slice %arg2[%dma_wait3A_178, %dma_wait3A_179] : memref<61650x128xf32, #tpu.memory_space<hbm>> -> memref<61650x128xf32, #tpu.memory_space<hbm>>
      tpu.wait_indirect_dma semaphore(%arg14 : memref<!tpu.dma_semaphore, #tpu.memory_space<semaphore_mem>>) src(%dma_wait3A_180 : memref<61650x128xf32, #tpu.memory_space<hbm>>) dst(%arg9 : memref<128x128xf32, #tpu.memory_space<vmem>>)
      %broadcast_in_dim3A_181 = arith.constant 0.000000e+00 : f32
      %broadcast_in_dim3A_182 = vector.broadcast %broadcast_in_dim3A_181 : f32 to vector<16xf32>
      %scan3A_183 = arith.constant 0 : i32
      %scan3A_184 = arith.constant 128 : i32
      %scan3A_185 = arith.addi %scan3A_183, %scan3A_184 : i32
      %scan3A_186 = arith.constant 1 : i32
      %scan3A_187:2 = scf.for %scan3A_197 = %scan3A_183 to %scan3A_185 step %scan3A_186 iter_args(%scan3A_198 = %broadcast_in_dim3A_182, %scan3A_199 = %broadcast_in_dim3A_182) -> (vector<16xf32>, vector<16xf32>)  : i32 {
        %get3A = arith.index_cast %scan3A_197 : i32 to index
        %get3A_200 = arith.constant 0 : index
        %get3A_201 = tpu.vector_load %arg11[%get3A, %get3A_200] {strides = array<i32>} : memref<128x16xf32, #tpu.memory_space<vmem>>, vector<1x16xf32>,
        %get3A_202 = vector.shape_cast %get3A_201 : vector<1x16xf32> to vector<16xf32>
        %get3A_203 = arith.index_cast %scan3A_197 : i32 to index
        %get3A_204 = arith.constant 96 : index
        %get3A_205 = tpu.vector_load %arg9[%get3A_203, %get3A_204] {strides = array<i32>} : memref<128x128xf32, #tpu.memory_space<vmem>>, vector<1x16xf32>,
        %get3A_206 = vector.shape_cast %get3A_205 : vector<1x16xf32> to vector<16xf32>
        %get3A_207 = arith.index_cast %scan3A_197 : i32 to index
        %get3A_208 = arith.constant 112 : index
        %get3A_209 = tpu.vector_load %arg9[%get3A_207, %get3A_208] {strides = array<i32>} : memref<128x128xf32, #tpu.memory_space<vmem>>, vector<1x16xf32>,
        %get3A_210 = vector.shape_cast %get3A_209 : vector<1x16xf32> to vector<16xf32>
        %mul3A_211 = arith.mulf %get3A_202, %get3A_206 : vector<16xf32>
        %add3A_212 = arith.addf %scan3A_198, %mul3A_211 : vector<16xf32>
        %mul3A_213 = arith.mulf %get3A_202, %get3A_210 : vector<16xf32>
        %add3A_214 = arith.addf %scan3A_199, %mul3A_213 : vector<16xf32>
        scf.yield %add3A_212, %add3A_214 : vector<16xf32>, vector<16xf32>
      }
      %scan3A_188 = arith.constant 128 : i32
      %swap3A_189 = arith.constant 224 : index
      %swap3A_190 = tpu.vector_load %arg12[%swap3A_189] {strides = array<i32>} : memref<256xf32, #tpu.memory_space<vmem>>, vector<16xf32>,
      %swap3A_191 = vector.shape_cast %swap3A_190 : vector<16xf32> to vector<16xf32>
      %swap3A_192 = vector.shape_cast %scan3A_187#0 : vector<16xf32> to vector<16xf32>
      tpu.vector_store %arg12[%swap3A_189], %swap3A_192 {strides = array<i32>} : memref<256xf32, #tpu.memory_space<vmem>>, vector<16xf32>,
      %swap3A_193 = arith.constant 240 : index
      %swap3A_194 = tpu.vector_load %arg12[%swap3A_193] {strides = array<i32>} : memref<256xf32, #tpu.memory_space<vmem>>, vector<16xf32>,
      %swap3A_195 = vector.shape_cast %swap3A_194 : vector<16xf32> to vector<16xf32>
      %swap3A_196 = vector.shape_cast %scan3A_187#1 : vector<16xf32> to vector<16xf32>
      tpu.vector_store %arg12[%swap3A_193], %swap3A_196 {strides = array<i32>} : memref<256xf32, #tpu.memory_space<vmem>>, vector<16xf32>,
      "tpu.region"() ({
        %run_scoped3A_197 = tpu.sem_alloc : memref<!tpu.dma_semaphore, #tpu.memory_space<semaphore_mem>>
        %dma_start3A_198 = arith.constant 0 : i32
        %dma_start3A_199 = tpu.memref_slice %arg5[%add3A_9, %dma_start3A_198] : memref<10240x256xf32, #tpu.memory_space<hbm>> -> memref<1x256xf32, #tpu.memory_space<hbm>>
        %dma_start3A_200 = tpu.memref_squeeze %dma_start3A_199 : memref<1x256xf32, #tpu.memory_space<hbm>> -> memref<256xf32, #tpu.memory_space<hbm>>
        %dma_start3A_201 = arith.constant 0 : i32
        %dma_start3A_202 = tpu.memref_slice %arg5[%add3A_9, %dma_start3A_201] : memref<10240x256xf32, #tpu.memory_space<hbm>> -> memref<1x256xf32, #tpu.memory_space<hbm>>
        %dma_start3A_203 = tpu.memref_squeeze %dma_start3A_202 : memref<1x256xf32, #tpu.memory_space<hbm>> -> memref<256xf32, #tpu.memory_space<hbm>>
        tpu.enqueue_dma source(%arg12 : memref<256xf32, #tpu.memory_space<vmem>>) target(%dma_start3A_203 : memref<256xf32, #tpu.memory_space<hbm>>) target_semaphore(%run_scoped3A_197 : memref<!tpu.dma_semaphore, #tpu.memory_space<semaphore_mem>>)
        %dma_wait3A_204 = arith.constant 0 : i32
        %dma_wait3A_205 = tpu.memref_slice %arg5[%add3A_9, %dma_wait3A_204] : memref<10240x256xf32, #tpu.memory_space<hbm>> -> memref<1x256xf32, #tpu.memory_space<hbm>>
        %dma_wait3A_206 = tpu.memref_squeeze %dma_wait3A_205 : memref<1x256xf32, #tpu.memory_space<hbm>> -> memref<256xf32, #tpu.memory_space<hbm>>
        %dma_wait3A_207 = arith.constant 0 : i32
        %dma_wait3A_208 = tpu.memref_slice %arg5[%add3A_9, %dma_wait3A_207] : memref<10240x256xf32, #tpu.memory_space<hbm>> -> memref<1x256xf32, #tpu.memory_space<hbm>>
        %dma_wait3A_209 = tpu.memref_squeeze %dma_wait3A_208 : memref<1x256xf32, #tpu.memory_space<hbm>> -> memref<256xf32, #tpu.memory_space<hbm>>
        tpu.wait_dma2 semaphore(%run_scoped3A_197 : memref<!tpu.dma_semaphore, #tpu.memory_space<semaphore_mem>>) src(%arg12 : memref<256xf32, #tpu.memory_space<vmem>>) dst(%dma_wait3A_209 : memref<256xf32, #tpu.memory_space<hbm>>)
        tpu.yield
      }) : () -> ()
    }
    %scan3A_5 = arith.constant 320 : i32
    return
  }
}

module attributes {stable_mosaic.version = 14 : i64} {
  func.func @_qproj_body(%arg0: i32, %arg1: memref<256x256xf32, #tpu.memory_space<vmem>>, %arg2: memref<256x512xf32, #tpu.memory_space<vmem>>, %arg3: memref<1x512xf32, #tpu.memory_space<vmem>>, %arg4: memref<256x256xf32, #tpu.memory_space<vmem>>, %arg5: memref<1x256xf32, #tpu.memory_space<vmem>>, %arg6: memref<256x512xf32, #tpu.memory_space<vmem>>, %arg7: memref<256x256xf32, #tpu.memory_space<vmem>>) attributes {dimension_semantics = [#tpu.dimension_semantics<arbitrary>], iteration_bounds = array<i64: 40>, scalar_prefetch = 0 : i64, scratch_operands = 0 : i64, tpu.core_type = #tpu.core_type<tc>, window_params = [{transform_indices = @transform_0, window_bounds = array<i64: 256, 256>}, {pipeline_mode = #tpu.pipeline_mode<synchronous>, transform_indices = @transform_1, window_bounds = array<i64: 256, 512>}, {pipeline_mode = #tpu.pipeline_mode<synchronous>, transform_indices = @transform_2, window_bounds = array<i64: 1, 512>}, {pipeline_mode = #tpu.pipeline_mode<synchronous>, transform_indices = @transform_3, window_bounds = array<i64: 256, 256>}, {pipeline_mode = #tpu.pipeline_mode<synchronous>, transform_indices = @transform_4, window_bounds = array<i64: 1, 256>}, {transform_indices = @transform_5, window_bounds = array<i64: 256, 512>}, {transform_indices = @transform_6, window_bounds = array<i64: 256, 256>}]} {
    %get3A = arith.constant 0 : index
    %get3A_0 = arith.constant 0 : index
    %get3A_1 = vector.load %arg1[%get3A, %get3A_0] : memref<256x256xf32, #tpu.memory_space<vmem>>, vector<256x256xf32>
    %get3A_2 = arith.constant 0 : index
    %get3A_3 = arith.constant 0 : index
    %get3A_4 = vector.load %arg2[%get3A_2, %get3A_3] : memref<256x512xf32, #tpu.memory_space<vmem>>, vector<256x512xf32>
    %dot_general3A = arith.constant dense<0.000000e+00> : vector<256x512xf32>
    %dot_general3A_5 = tpu.matmul %get3A_1, %get3A_4, %dot_general3A {dimension_numbers = #tpu.dot_dimension_numbers<[1], [0], [0], [1], [0, 0, 1, 1], [], []>, transpose_lhs_hint = false} : vector<256x256xf32>, vector<256x512xf32>, vector<256x512xf32> -> vector<256x512xf32>
    %get3A_6 = arith.constant 0 : index
    %get3A_7 = arith.constant 0 : index
    %get3A_8 = vector.load %arg3[%get3A_6, %get3A_7] : memref<1x512xf32, #tpu.memory_space<vmem>>, vector<1x512xf32>
    %add3A = vector.broadcast %get3A_8 : vector<1x512xf32> to vector<256x512xf32>
    %add3A_9 = arith.addf %dot_general3A_5, %add3A : vector<256x512xf32>
    %swap3A = arith.constant 0 : index
    %swap3A_10 = arith.constant 0 : index
    %swap3A_11 = vector.load %arg6[%swap3A, %swap3A_10] : memref<256x512xf32, #tpu.memory_space<vmem>>, vector<256x512xf32>
    tpu.vector_store %arg6[%swap3A, %swap3A_10], %add3A_9 {strides = array<i32>} : memref<256x512xf32, #tpu.memory_space<vmem>>, vector<256x512xf32>,
    %get3A_12 = arith.constant 0 : index
    %get3A_13 = arith.constant 0 : index
    %get3A_14 = vector.load %arg4[%get3A_12, %get3A_13] : memref<256x256xf32, #tpu.memory_space<vmem>>, vector<256x256xf32>
    %dot_general3A_15 = arith.constant dense<0.000000e+00> : vector<256x256xf32>
    %dot_general3A_16 = tpu.matmul %get3A_1, %get3A_14, %dot_general3A_15 {dimension_numbers = #tpu.dot_dimension_numbers<[1], [0], [0], [1], [0, 0, 1, 1], [], []>, transpose_lhs_hint = false} : vector<256x256xf32>, vector<256x256xf32>, vector<256x256xf32> -> vector<256x256xf32>
    %get3A_17 = arith.constant 0 : index
    %get3A_18 = arith.constant 0 : index
    %get3A_19 = vector.load %arg5[%get3A_17, %get3A_18] : memref<1x256xf32, #tpu.memory_space<vmem>>, vector<1x256xf32>
    %add3A_20 = vector.broadcast %get3A_19 : vector<1x256xf32> to vector<256x256xf32>
    %add3A_21 = arith.addf %dot_general3A_16, %add3A_20 : vector<256x256xf32>
    %reshape3A = vector.shape_cast %add3A_21 : vector<256x256xf32> to vector<256x8x32xf32>
    %reduce_max3A = arith.constant dense<0xFF800000> : vector<256x8xf32>
    %reduce_max3A_22 = vector.multi_reduction <maximumf>, %reshape3A, %reduce_max3A [2] : vector<256x8x32xf32> to vector<256x8xf32>
    %broadcast_in_dim3A = vector.shape_cast %reduce_max3A_22 : vector<256x8xf32> to vector<256x8x1xf32>
    %sub3A = vector.broadcast %broadcast_in_dim3A : vector<256x8x1xf32> to vector<256x8x32xf32>
    %sub3A_23 = arith.subf %reshape3A, %sub3A : vector<256x8x32xf32>
    %exp3A = math.exp %sub3A_23 : vector<256x8x32xf32>
    %reduce_sum3A = arith.constant dense<0.000000e+00> : vector<256x8xf32>
    %reduce_sum3A_24 = vector.multi_reduction <add>, %exp3A, %reduce_sum3A [2] : vector<256x8x32xf32> to vector<256x8xf32>
    %broadcast_in_dim3A_25 = vector.shape_cast %reduce_sum3A_24 : vector<256x8xf32> to vector<256x8x1xf32>
    %div3A = vector.broadcast %broadcast_in_dim3A_25 : vector<256x8x1xf32> to vector<256x8x32xf32>
    %div3A_26 = arith.divf %exp3A, %div3A : vector<256x8x32xf32>
    %reshape3A_27 = vector.shape_cast %div3A_26 : vector<256x8x32xf32> to vector<256x256xf32>
    %swap3A_28 = arith.constant 0 : index
    %swap3A_29 = arith.constant 0 : index
    %swap3A_30 = vector.load %arg7[%swap3A_28, %swap3A_29] : memref<256x256xf32, #tpu.memory_space<vmem>>, vector<256x256xf32>
    tpu.vector_store %arg7[%swap3A_28, %swap3A_29], %reshape3A_27 {strides = array<i32>} : memref<256x256xf32, #tpu.memory_space<vmem>>, vector<256x256xf32>,
    return
  }
  func.func @transform_0(%arg0: i32) -> (i32, i32) {
    %c0_i32 = arith.constant 0 : i32
    %c0_i32_0 = arith.constant 0 : i32
    return %arg0, %c0_i32 : i32, i32
  }
  func.func @transform_1(%arg0: i32) -> (i32, i32) {
    %c0_i32 = arith.constant 0 : i32
    %c0_i32_0 = arith.constant 0 : i32
    %c0_i32_1 = arith.constant 0 : i32
    return %c0_i32, %c0_i32_0 : i32, i32
  }
  func.func @transform_2(%arg0: i32) -> (i32, i32) {
    %c0_i32 = arith.constant 0 : i32
    %c0_i32_0 = arith.constant 0 : i32
    %c0_i32_1 = arith.constant 0 : i32
    return %c0_i32, %c0_i32_0 : i32, i32
  }
  func.func @transform_3(%arg0: i32) -> (i32, i32) {
    %c0_i32 = arith.constant 0 : i32
    %c0_i32_0 = arith.constant 0 : i32
    %c0_i32_1 = arith.constant 0 : i32
    return %c0_i32, %c0_i32_0 : i32, i32
  }
  func.func @transform_4(%arg0: i32) -> (i32, i32) {
    %c0_i32 = arith.constant 0 : i32
    %c0_i32_0 = arith.constant 0 : i32
    %c0_i32_1 = arith.constant 0 : i32
    return %c0_i32, %c0_i32_0 : i32, i32
  }
  func.func @transform_5(%arg0: i32) -> (i32, i32) {
    %c0_i32 = arith.constant 0 : i32
    %c0_i32_0 = arith.constant 0 : i32
    return %arg0, %c0_i32 : i32, i32
  }
  func.func @transform_6(%arg0: i32) -> (i32, i32) {
    %c0_i32 = arith.constant 0 : i32
    %c0_i32_0 = arith.constant 0 : i32
    return %arg0, %c0_i32 : i32, i32
  }
}

module attributes {stable_mosaic.version = 14 : i64} {
  func.func @_vproj_body(%arg0: i32, %arg1: memref<128x256xf32, #tpu.memory_space<vmem>>, %arg2: memref<256x256xf32, #tpu.memory_space<vmem>>, %arg3: memref<1x256xf32, #tpu.memory_space<vmem>>, %arg4: memref<128x256xf32, #tpu.memory_space<vmem>>) attributes {dimension_semantics = [#tpu.dimension_semantics<arbitrary>], iteration_bounds = array<i64: 241>, scalar_prefetch = 0 : i64, scratch_operands = 0 : i64, tpu.core_type = #tpu.core_type<tc>, window_params = [{transform_indices = @transform_0, window_bounds = array<i64: 128, 256>}, {pipeline_mode = #tpu.pipeline_mode<synchronous>, transform_indices = @transform_1, window_bounds = array<i64: 256, 256>}, {pipeline_mode = #tpu.pipeline_mode<synchronous>, transform_indices = @transform_2, window_bounds = array<i64: 1, 256>}, {transform_indices = @transform_3, window_bounds = array<i64: 128, 256>}]} {
    %get3A = arith.constant 0 : index
    %get3A_0 = arith.constant 0 : index
    %get3A_1 = vector.load %arg1[%get3A, %get3A_0] : memref<128x256xf32, #tpu.memory_space<vmem>>, vector<128x256xf32>
    %get3A_2 = arith.constant 0 : index
    %get3A_3 = arith.constant 0 : index
    %get3A_4 = vector.load %arg2[%get3A_2, %get3A_3] : memref<256x256xf32, #tpu.memory_space<vmem>>, vector<256x256xf32>
    %dot_general3A = arith.constant dense<0.000000e+00> : vector<128x256xf32>
    %dot_general3A_5 = tpu.matmul %get3A_1, %get3A_4, %dot_general3A {dimension_numbers = #tpu.dot_dimension_numbers<[1], [0], [0], [1], [0, 0, 1, 1], [], []>, transpose_lhs_hint = false} : vector<128x256xf32>, vector<256x256xf32>, vector<128x256xf32> -> vector<128x256xf32>
    %get3A_6 = arith.constant 0 : index
    %get3A_7 = arith.constant 0 : index
    %get3A_8 = vector.load %arg3[%get3A_6, %get3A_7] : memref<1x256xf32, #tpu.memory_space<vmem>>, vector<1x256xf32>
    %add3A = vector.broadcast %get3A_8 : vector<1x256xf32> to vector<128x256xf32>
    %add3A_9 = arith.addf %dot_general3A_5, %add3A : vector<128x256xf32>
    %swap3A = arith.constant 0 : index
    %swap3A_10 = arith.constant 0 : index
    %swap3A_11 = vector.load %arg4[%swap3A, %swap3A_10] : memref<128x256xf32, #tpu.memory_space<vmem>>, vector<128x256xf32>
    tpu.vector_store %arg4[%swap3A, %swap3A_10], %add3A_9 {strides = array<i32>} : memref<128x256xf32, #tpu.memory_space<vmem>>, vector<128x256xf32>,
    return
  }
  func.func @transform_0(%arg0: i32) -> (i32, i32) {
    %c0_i32 = arith.constant 0 : i32
    %c0_i32_0 = arith.constant 0 : i32
    return %arg0, %c0_i32 : i32, i32
  }
  func.func @transform_1(%arg0: i32) -> (i32, i32) {
    %c0_i32 = arith.constant 0 : i32
    %c0_i32_0 = arith.constant 0 : i32
    %c0_i32_1 = arith.constant 0 : i32
    return %c0_i32, %c0_i32_0 : i32, i32
  }
  func.func @transform_2(%arg0: i32) -> (i32, i32) {
    %c0_i32 = arith.constant 0 : i32
    %c0_i32_0 = arith.constant 0 : i32
    %c0_i32_1 = arith.constant 0 : i32
    return %c0_i32, %c0_i32_0 : i32, i32
  }
  func.func @transform_3(%arg0: i32) -> (i32, i32) {
    %c0_i32 = arith.constant 0 : i32
    %c0_i32_0 = arith.constant 0 : i32
    return %arg0, %c0_i32 : i32, i32
  }
}

</mosaic_0001>

<sc_bundles>
// kernel: kernel.5.cloned.1.call-start
scs
__scs_entry_jumppad:
0x0: {  	(pc) =	sbr.rel $0x88, $3  }
0x1: {  	(tag) =	ssettag $0x0;
	lr =	simm.s32 $0x1  }
0x2: {  	[smem:$0x3F97] =	sst lr;
	_ =	strace $0xD0000000  }
0x3: {  	_ = 	snop  }
0x4: {  	_ = 	snop  }
0x5: {  	_ = 	snop  }
0x6: {  	_ = 	snop  }
0x7: {  	_ = 	snop  }
__scs_overlays_trampoline_lowered:
0x8: {  	[smem:$0x3FA6] =	sst s0  }
0x9: {  	[smem:$0x3FA7] =	sst s1  }
0xa: {  	[smem:$0x3FA8] =	sst s2  }
0xb: {  	[smem:$0x3FA9] =	sst s3  }
0xc: {  	[smem:$0x3FAA] =	sst s4  }
0xd: {  	[smem:$0x3FAB] =	sst s5  }
0xe: {  	[smem:$0x3FAC] =	sst s6  }
0xf: {  	[smem:$0x3FAD] =	sst s7  }
0x10: {  	[smem:$0x3FAE] =	sst s8  }
0x11: {  	[smem:$0x3FAF] =	sst s9;
	s0 =	simm.s32 @!p0 $0x0  }
0x12: {  	s1 =	sld [smem:$0x3F95];
	s0 =	simm.s32 @p0 $0x1  }
0x13: {  	[smem:$0x3FB0] =	sst s0;
	s0 =	simm.s32 @!p1 $0x0  }
0x14: {  	s2 =	sld [smem:$0x3F94];
	s0 =	simm.s32 @p1 $0x1  }
0x15: {  	[smem:$0x3FB1] =	sst s0;
	s0 =	simm.s32 @!p2 $0x0  }
0x16: {  	s3 =	sld [smem:$0x3FDB];
	s0 =	simm.s32 @p2 $0x1  }
0x17: {  	s4 =	simm.s32 $0x1BF5;
	[smem:$0x3FB3] =	sst s0  }
0x18: {  	s0 =	sld [smem:$0x3F96];
	_ =	swait.ge [sflag:s4], $0x0  }
0x19: {  	s7 =	sld [smem:$0x3F97]  }
0x1a: {  	s8 =	sadd.s32 $0xFFFFE003, lr  }
0x1b: {  	s9 =	sadd.s32 $0xFFFFFEF7, lr;
	s5 =	simm.s32 $0xFFFFFFFF;
	p2 =	slt.u32 s8, $0xFFFFF086  }
0x1c: {  	p1 =	slt.u32 s9, $0xF7A;
	s5 =	simm.s32 @!p2 $0x0  }
0x1d: {  	s5 =	simm.s32 @p1 $0x1;
	p0 =	seq.s32 s7, s2  }
0x1e: {  	s7 =	smul.u32 @!p0 $0xF7A, s2;
	p2 =	seq.s32 @!p0 s5, $0x0  }
0x1f: {  	s9 =	smul.u32 $0xF7A, s1;
	s8 =	simm.s32 @!p0 $0x1BF5;
	p2 =	por !p2, p0  }
0x20: {  	[sflag:s8] =	ssyncset.s32 @!p0 $0xFFFFF086;
	s6 =	sadd.s32 @!p0 s3, s7;
	s7 =	simm.s32 @!p0 $0x108  }
0x21: {  	s3 =	sadd.s32 s3, s9;
	s6 =	sadd.s32 @!p0 $0x88, s6;
	s7 =	simm.s32 @p2 $0x1082  }
0x22: {  	[simem:s7], [sflag:s8] =	dma.local @!p0 [hbm:s6], $0xF7A  }
0x23: {  	s9 =	sor.u32 $0xD0000000, s2;
	s6 =	simm.s32 $0x108;
	_ =	swait.ge @!p0 [sflag:s8], $0x0  }
0x24: {  	s3 =	sadd.s32 $0x88, s3;
	s6 =	simm.s32 @!p1 $0x1082;
	[sflag:s4] =	ssyncset.s32 $0xFFFFF086  }
0x25: {  	[simem:s6], [sflag:s4] =	dma.local [hbm:s3], $0xF7A  }
0x26: {  	[smem:$0x3F97] =	sst s1;
	(tag) =	ssettag s2;
	_ =	strace s9  }
0x27: {  	s1 =	sld [smem:$0x3FA7]  }
0x28: {  	s2 =	sld [smem:$0x3FA8]  }
0x29: {  	s4 =	sld [smem:$0x3FAA]  }
0x2a: {  	p0 =	seq.s32 s5, $0x0;
	s5 =	sld [smem:$0x3FAB]  }
0x2b: {  	s6 =	sld [smem:$0x3FAC]  }
0x2c: {  	s7 =	sld [smem:$0x3FAD]  }
0x2d: {  	s3 =	simm.s32 $0x108;
	s8 =	sld [smem:$0x3FAE]  }
0x2e: {  	s3 =	simm.s32 @!p0 $0x1082;
	s9 =	sld [smem:$0x3FAF]  }
0x2f: {  	lr =	sadd.s32 s0, s3;
	s0 =	sld [smem:$0x3FA6]  }
0x30: {  	s3 =	sld [smem:$0x3FA9]  }
0x31: {  	[smem:$0x3FB2] =	sst s10  }
0x32: {  	s10 =	sld [smem:$0x3FB0];
	_ =	sdelay $0x3  }
0x33: {  	p0 =	seq.s32 s10, $0x1;
	s10 =	sld [smem:$0x3FB2];
	_ =	sdelay $0x3  }
0x34: {  	[smem:$0x3FB2] =	sst s10  }
0x35: {  	s10 =	sld [smem:$0x3FB1];
	_ =	sdelay $0x3  }
0x36: {  	p1 =	seq.s32 s10, $0x1;
	s10 =	sld [smem:$0x3FB2];
	_ =	sdelay $0x3  }
0x37: {  	[smem:$0x3FB2] =	sst s10  }
0x38: {  	s10 =	sld [smem:$0x3FB3]  }
0x39: {  	_ = 	snop;
	(pc) =	sbr.ind lr, $3  }
0x3a: {  	_ = 	snop  }
0x3b: {  	_ = 	snop  }
0x3c: {  	p2 =	seq.s32 s10, $0x1;
	s10 =	sld [smem:$0x3FB2]  }
0x3d: {  	_ =	shalt  }
0x3e: {  	_ =	shalt  }
0x3f: {  	_ =	shalt  }
0x40: {  	_ =	shalt  }
0x41: {  	_ =	shalt  }
0x42: {  	_ =	shalt  }
0x43: {  	_ =	shalt  }
0x44: {  	_ =	shalt  }
0x45: {  	_ =	shalt  }
0x46: {  	_ =	shalt  }
0x47: {  	_ =	shalt  }
0x48: {  	_ =	shalt  }
0x49: {  	_ =	shalt  }
0x4a: {  	_ =	shalt  }
0x4b: {  	_ =	shalt  }
0x4c: {  	_ =	shalt  }
0x4d: {  	_ =	shalt  }
0x4e: {  	_ =	shalt  }
0x4f: {  	_ =	shalt  }
0x50: {  	_ =	shalt  }
0x51: {  	_ =	shalt  }
0x52: {  	_ =	shalt  }
0x53: {  	_ =	shalt  }
0x54: {  	_ =	shalt  }
0x55: {  	_ =	shalt  }
0x56: {  	_ =	shalt  }
0x57: {  	_ =	shalt  }
0x58: {  	_ =	shalt  }
0x59: {  	_ =	shalt  }
0x5a: {  	_ =	shalt  }
0x5b: {  	_ =	shalt  }
0x5c: {  	_ =	shalt  }
0x5d: {  	_ =	shalt  }
0x5e: {  	_ =	shalt  }
0x5f: {  	_ =	shalt  }
0x60: {  	_ =	shalt  }
0x61: {  	_ =	shalt  }
0x62: {  	_ =	shalt  }
0x63: {  	_ =	shalt  }
0x64: {  	_ =	shalt  }
0x65: {  	_ =	shalt  }
0x66: {  	_ =	shalt  }
0x67: {  	_ =	shalt  }
0x68: {  	_ =	shalt  }
0x69: {  	_ =	shalt  }
0x6a: {  	_ =	shalt  }
0x6b: {  	_ =	shalt  }
0x6c: {  	_ =	shalt  }
0x6d: {  	_ =	shalt  }
0x6e: {  	_ =	shalt  }
0x6f: {  	_ =	shalt  }
0x70: {  	_ =	shalt  }
0x71: {  	_ =	shalt  }
0x72: {  	_ =	shalt  }
0x73: {  	_ =	shalt  }
0x74: {  	_ =	shalt  }
0x75: {  	_ =	shalt  }
0x76: {  	_ =	shalt  }
0x77: {  	_ =	shalt  }
0x78: {  	_ =	shalt  }
0x79: {  	_ =	shalt  }
0x7a: {  	_ =	shalt  }
0x7b: {  	_ =	shalt  }
0x7c: {  	_ =	shalt  }
0x7d: {  	_ =	shalt  }
0x7e: {  	_ =	shalt  }
0x7f: {  	_ =	shalt  }
0x80: {  	_ =	shalt  }
0x81: {  	_ =	shalt  }
0x82: {  	_ =	shalt  }
0x83: {  	_ =	shalt  }
0x84: {  	_ =	shalt  }
0x85: {  	_ =	shalt  }
0x86: {  	_ =	shalt  }
0x87: {  	_ =	shalt  }
.Lfunc_end0:
.L_simem_size_0:
called_computation.4_lowered:
.L_overlay_start_0:
0x88: {  	s2 =	sld [smem:$0x3FD9]  }
0x89: {  	s3 =	sld [smem:$0x3FFE];
	_ =	sdelay $0x1  }
0x8a: {  	s1 =	srdreg.scid  }
0x8b: {  	s0 =	sand.u32 $0x1, s1  }
0x8c: {  	s16 =	sshll.u32 s0, $0xA;
	s2 =	sadd.s32 s3, s2  }
0x8d: {  	s2 =	sadd.s32 s2, s16  }
0x8e: {  	[smem:$0x3FBE] =	sst s2  }
0x8f: {  	_ = 	snop  }
0x90: {  	(tm) =	ssettm $0x1  }
0x91: {  	s17 =	sld [smem:$0x3FFB];
	_ =	sdelay $0x3  }
0x92: {  	_ =	strace s17  }
0x93: {  	s2 =	sld [smem:$0x3FFC];
	_ =	sdelay $0x3  }
0x94: {  	_ =	strace s2  }
0x95: {  	s2 =	sld [smem:$0x3FFD];
	_ =	sdelay $0x3  }
0x96: {  	_ =	strace s2  }
0x97: {  	_ =	strace $0x8FFFFFFF  }
0x98: {  	s18 =	sld [smem:$0x3FDB];
	_ =	sdelay $0x1  }
0x99: {  	s19 =	simm.s32 $_scs_section_size  }
0x9a: {  	s4 =	simm.s32 $_size__tile_overlayer_lowered;
	s5 =	simm.s32 $_tile_overlayer_lowered  }
0x9b: {  	s22 =	simm.s32 $0x1BFF;
	s21 =	sshll.u32 s5, $0x1;
	s2 =	sadd.s32 s19, s18  }
0x9c: {  	s6 =	simm.s32 $0x0;
	s20 =	sshll.u32 s4, $0x1;
	s4 =	sadd.s32 s21, s2  }
0x9d: {  	[timem:s6], [sflag:s22] =	dma.local [hbm:s4], s20  }
0x9e: {  	_ =	swait.ge [sflag:s22], s20  }
0x9f: {  	s3 =	ssub.s32 $0x0, s20;
	[sflag:s22] =	ssyncset.done $0x0  }
0xa0: {  	[sflag:s22] =	ssyncadd.s32 s3;
	_ =	sdelay $0x1  }
0xa1: {  	s23 =	simm.s32 $0x1B8B  }
0xa2: {  	_ =	swait.ge [sflag:s23], $0x1  }
0xa3: {  	[sflag:s23] =	ssyncset.done $0x0  }
0xa4: {  	s25 =	simm.s32 $0x1B8E;
	s24 =	sld [smem:$0x3FFE];
	[sflag:s23] =	ssyncadd.s32 $0xFFFFFFFF  }
0xa5: {  	s26 =	simm.s32 $execute0_lowered;
	[smem:$0x3FD2] =	sst s25  }
0xa6: {  	s4 =	sshll.u32 s26, $0x1;
	_ =	strace $0x80000052;
	[dreg:$0x1] =	wrdreg $0xFFFFFFFF  }
0xa7: {  	s28 =	simm.s32 $_size_execute0_lowered;
	s2 =	sadd.s32 s2, s4;
	[dreg:$0x0] =	wrdreg $0x0  }
0xa8: {  	s4 =	sshll.u32 s28, $0x1;
	[dreg:$0x2] =	wrdreg s2  }
0xa9: {  	[dreg:$0x3] =	wrdreg s4  }
0xaa: {  	[dreg:$0x4] =	wrdreg $0xC0  }
0xab: {  	_ =	task [dreg:s6], $0x5FFFF  }
0xac: {  	[dreg:$0x1] =	wrdreg $0xFFFFFFFF  }
0xad: {  	[dreg:$0x0] =	wrdreg $0x60  }
0xae: {  	[dreg:$0x2] =	wrdreg s24  }
0xaf: {  	[dreg:$0x3] =	wrdreg $0x9  }
0xb0: {  	_ =	task.clear_ibuf [dreg:s6], $0x4FFFF;
	_ =	strace $0x90000052  }
0xb1: {  	s29 =	simm.s32 $0x9;
	_ =	strace $0x80000054  }
0xb2: {  	_ =	swait.ge [sflag:s29], $0x1  }
0xb3: {  	[sflag:s29] =	ssyncadd.s32 $0xFFFFFFFF  }
0xb4: {  	_ =	strace $0x90000054  }
0xb5: {  	_ =	sfence  }
0xb6: {  	s30 =	sld [smem:$0x0];
	_ =	sdelay $0x2  }
0xb7: {  	s31 =	sshll.u32 s1, $0xD;
	s1 =	sshrl.u32 s1, $0x2  }
0xb8: {  	s3 =	sand.u32 $0x4000, s31;
	s1 =	sadd.s32 s1, s30  }
0xb9: {  	s0 =	sor.u32 s3, s0;
	s1 =	sshll.u32 s1, $0x11  }
0xba: {  	s0 =	sor.u32 s1, s0  }
0xbb: {  	s0 =	sadd.s32 $0x8F2B, s0  }
0xbc: {  	[sflag:s0] =	ssyncadd.remote.s32 $0x1  }
0xbd: {  	_ =	sfence.sel $0xFFFF  }
0xbe: {  	[dreg:$0x0] =	wrdreg $0xFFFFFFFF;
	(pc) =	sbr.abs _section_cstart, $3  }
0xbf: {  	[dreg:$0x1] =	wrdreg $0xFFFFFFFF  }
0xc0: {  	_ =	task.clear_ibuf [dreg:s6], $0x2FFFF;
	_ =	strace $0x9FFFFFFF  }
0xc1: {  	(tm) =	ssettm $0x7FFFFFFF  }
tec
execute0_lowered:
.L_overlay_start_1:
0x0: {  	(tag) =	ssettag $0x1  }
0x1: {  	s0 =	rddreg [dreg:$0x0]  }
0x2: {  	s5 =	simm.s32 $0x0;
	s1 =	srdreg.scid;
	s4 =	stileid.u32  }
0x3: {  	s28 =	simm.s32 $0xC100;
	s29 =	simm.s32 $0x4100;
	s30 =	simm.s32 $0x1  }
0x4: {  	s31 =	simm.s32 $0x2;
	[smem:$0x7FF] =	sst s5;
	s3 =	sadd.s32 $0x3B0600, s0  }
0x5: {  	s2 =	sadd.s32 $0x3600, s0;
	s23 =	sadd.s32 $0x720600, s0;
	s6 =	sadd.s32 $0x143600, s0  }
0x6: {  	s1 =	sand.u32 $0x1, s1;
	s8 =	sadd.s32 $0x3610, s0;
	s9 =	sadd.s32 $0x720E00, s0  }
0x7: {  	s10 =	sadd.s32 $0x3620, s0;
	s11 =	sadd.s32 $0x721600, s0;
	s12 =	sadd.s32 $0x3630, s0  }
0x8: {  	s14 =	sadd.s32 $0x722600, s0;
	s15 =	sadd.s32 $0x3640, s0;
	s16 =	sadd.s32 $0x3650, s0  }
0x9: {  	s4 =	sshll.u32 s4, $0x1;
	s17 =	sadd.s32 $0x722E00, s0;
	s19 =	sadd.s32 $0x723600, s0  }
0xa: {  	s18 =	sadd.s32 $0x3660, s0;
	s20 =	sadd.s32 $0x3670, s0;
	s21 =	sadd.s32 $0x723E00, s0  }
0xb: {  	_ =	strace $0x80000053;
	[dreg:$0x3] =	wrdreg s2;
	s24 =	ssub.s32 $0x2, s1  }
0xc: {  	[dreg:$0x4] =	wrdreg s23;
	s1 =	sor.u32 s1, s4;
	s13 =	sshrl.u32 s24, $0x1  }
0xd: {  	s23 =	simm.s32 $0x3;
	s7 =	smul.u32 $0x140, s1;
	s25 =	ssub.s32 s24, s13  }
0xe: {  	s13 =	sadd.s32 $0x721E00, s0;
	s24 =	simm.s32 $0x8100;
	s26 =	smax.u32 s25, $0x1  }
0xf: {  	s25 =	simm.s32 $0x80;
	[dreg:$0x5] =	wrdreg s26;
	s26 =	simm.s32 $0x100  }
.LBB2_1:
0x10: {  	[dreg:$0x2] =	wrdreg s5;
	s22 =	simm.s32 $0x0  }
.LBB2_2:
0x11: {  	s1 =	sadd.s32 s7, s22  }
0x12: {  	s2 =	rddreg [dreg:$0x3];
	s0 =	sshll.u32 s1, $0x7  }
0x13: {  	s4 =	simm.s32 $0x0;
	s2 =	sadd.s32 s2, s0  }
0x14: {  	[tilespmem:s4], [sflag:$0x3] =	stream.linear.gather [hbm4b:s2+s4], $0x80, $0x38;
	[tilespmem:$0x10200] =	vst v63  }
0x15: {  	_ =	swait.ge [sflag:s23], $0x80  }
0x16: {  	s2 =	sshll.u32 s1, $0xE;
	[sflag:s23] =	ssyncset.done $0x0;
	s5 =	rddreg [dreg:$0x4]  }
0x17: {  	[sflag:s23] =	ssyncadd.s32 $0xFFFFFF80;
	s5 =	sadd.s32 s5, s2  }
0x18: {  	[tilespmem:s24], [sflag:$0x3] =	stream.linear.gather [hbm4b:s5+s4], $0x4000, $0x38;
	[tilespmem:$0x10200] =	vst v63  }
0x19: {  	_ =	swait.ge [sflag:s23], $0x4000  }
0x1a: {  	[sflag:s23] =	ssyncset.done $0x0  }
0x1b: {  	[sflag:s23] =	ssyncadd.s32 $0xFFFFC000  }
0x1c: {  	[tilespmem:s26], [sflag:$0x1] =	stream.indirect.gather [hbm4b:s3+s25], $0x80, s4, s25, $0xb8;
	[tilespmem:$0x10200] =	vst v63  }
0x1d: {  	s5 =	sadd.s32 s0, s8  }
0x1e: {  	[tilespmem:s25], [sflag:$0x3] =	stream.linear.gather [hbm4b:s5+s4], $0x80, $0x38;
	[tilespmem:$0x10200] =	vst v63  }
0x1f: {  	_ =	swait.ge [sflag:s23], $0x80  }
0x20: {  	[sflag:s23] =	ssyncset.done $0x0  }
0x21: {  	s5 =	sadd.s32 s2, s9;
	[sflag:s23] =	ssyncadd.s32 $0xFFFFFF80  }
0x22: {  	[tilespmem:s28], [sflag:$0x3] =	stream.linear.gather [hbm4b:s5+s4], $0x4000, $0x38;
	[tilespmem:$0x10200] =	vst v63  }
0x23: {  	_ =	swait.ge [sflag:s23], $0x4000  }
0x24: {  	[sflag:s23] =	ssyncset.done $0x0  }
0x25: {  	[sflag:s23] =	ssyncadd.s32 $0xFFFFC000  }
0x26: {  	[tilespmem:s29], [sflag:$0x2] =	stream.indirect.gather [hbm4b:s3+s25], $0x80, s25, s25, $0xb8;
	[tilespmem:$0x10200] =	vst v63  }
0x27: {  	_ =	swait.ge [sflag:s30], $0x4000  }
0x28: {  	[sflag:s30] =	ssyncset.done $0x0  }
0x29: {  	s5 =	simm.s32 $0x0;
	[sflag:s30] =	ssyncadd.s32 $0xFFFFC000  }
0x2a: {  	v1 =	vld [tilespmem:s5+$0x8100]  }
0x2b: {  	v2 =	vld [tilespmem:s5+$0x110]  }
0x2c: {  	v4 =	vld [tilespmem:s5+$0x100]  }
0x2d: {  	v0 =	vimm.f32 $0.0e+00;
	v3 =	vimm.f32 $0.0e+00;
	s4 =	simm.s32 $0x200  }
.LBB2_3:
0x2e: {  	p0 =	sne.s32 s4, $0xFE00  }
.Ltmp0:
0x2f: {  	s5 =	sshra.s32 s4, $0x2;
	v5 =	vmov v1;
	(pc) =	sbr.rel @p0 .LBB2_3-.Ltmp0, $4  }
0x30: {  	s4 =	sadd.s32 $0x200, s4;
	v1 =	vld [tilespmem:s5+$0x8100];
	v6 =	vmul.f32 v2, v5  }
0x31: {  	v2 =	vld [tilespmem:s5+$0x110];
	v5 =	vmul.f32 v4, v5  }
0x32: {  	v4 =	vld [tilespmem:s5+$0x100];
	v0 =	vadd.f32 v6, v0  }
0x33: {  	v3 =	vadd.f32 v5, v3  }
0x34: {  	_ =	sdelay $0x2  }
0x35: {  	v4 =	vmul.f32 v4, v1  }
0x36: {  	v1 =	vmul.f32 v2, v1  }
0x37: {  	v2 =	vadd.f32 v4, v3  }
0x38: {  	v0 =	vadd.f32 v1, v0  }
0x39: {  	[tilespmem:$0x10100] =	vst v2  }
0x3a: {  	s4 =	sadd.s32 s0, s10;
	s5 =	simm.s32 $0x0;
	[tilespmem:$0x10110] =	vst v0  }
0x3b: {  	[tilespmem:s5], [sflag:$0x3] =	stream.linear.gather [hbm4b:s4+s5], $0x80, $0x38;
	[tilespmem:$0x10200] =	vst v63  }
0x3c: {  	_ =	swait.ge [sflag:s23], $0x80  }
0x3d: {  	[sflag:s23] =	ssyncset.done $0x0  }
0x3e: {  	s4 =	sadd.s32 s2, s11;
	[sflag:s23] =	ssyncadd.s32 $0xFFFFFF80  }
0x3f: {  	[tilespmem:s24], [sflag:$0x3] =	stream.linear.gather [hbm4b:s4+s5], $0x4000, $0x38;
	[tilespmem:$0x10200] =	vst v63  }
0x40: {  	_ =	swait.ge [sflag:s23], $0x4000  }
0x41: {  	[sflag:s23] =	ssyncset.done $0x0  }
0x42: {  	[sflag:s23] =	ssyncadd.s32 $0xFFFFC000  }
0x43: {  	[tilespmem:s26], [sflag:$0x1] =	stream.indirect.gather [hbm4b:s3+s25], $0x80, s5, s25, $0xb8;
	[tilespmem:$0x10200] =	vst v63  }
0x44: {  	_ =	swait.ge [sflag:s31], $0x4000  }
0x45: {  	[sflag:s31] =	ssyncset.done $0x0  }
0x46: {  	s5 =	simm.s32 $0x0;
	[sflag:s31] =	ssyncadd.s32 $0xFFFFC000  }
0x47: {  	v1 =	vld [tilespmem:s5+$0xC100]  }
0x48: {  	v2 =	vld [tilespmem:s5+$0x4130]  }
0x49: {  	v4 =	vld [tilespmem:s5+$0x4120]  }
0x4a: {  	v3 =	vimm.f32 $0.0e+00;
	v0 =	vimm.f32 $0.0e+00;
	s4 =	simm.s32 $0x200  }
.LBB2_5:
0x4b: {  	p0 =	sne.s32 s4, $0xFE00  }
.Ltmp1:
0x4c: {  	s5 =	sshra.s32 s4, $0x2;
	v5 =	vmov v1;
	(pc) =	sbr.rel @p0 .LBB2_5-.Ltmp1, $4  }
0x4d: {  	s4 =	sadd.s32 $0x200, s4;
	v1 =	vld [tilespmem:s5+$0xC100];
	v6 =	vmul.f32 v2, v5  }
0x4e: {  	v2 =	vld [tilespmem:s5+$0x4130];
	v5 =	vmul.f32 v4, v5  }
0x4f: {  	v4 =	vld [tilespmem:s5+$0x4120];
	v0 =	vadd.f32 v6, v0  }
0x50: {  	v3 =	vadd.f32 v5, v3  }
0x51: {  	_ =	sdelay $0x2  }
0x52: {  	v4 =	vmul.f32 v4, v1  }
0x53: {  	v1 =	vmul.f32 v2, v1  }
0x54: {  	v2 =	vadd.f32 v4, v3  }
0x55: {  	v0 =	vadd.f32 v1, v0  }
0x56: {  	[tilespmem:$0x10120] =	vst v2  }
0x57: {  	s4 =	sadd.s32 s0, s12;
	s5 =	simm.s32 $0x0;
	[tilespmem:$0x10130] =	vst v0  }
0x58: {  	[tilespmem:s25], [sflag:$0x3] =	stream.linear.gather [hbm4b:s4+s5], $0x80, $0x38;
	[tilespmem:$0x10200] =	vst v63  }
0x59: {  	_ =	swait.ge [sflag:s23], $0x80  }
0x5a: {  	[sflag:s23] =	ssyncset.done $0x0  }
0x5b: {  	s4 =	sadd.s32 s2, s13;
	[sflag:s23] =	ssyncadd.s32 $0xFFFFFF80  }
0x5c: {  	[tilespmem:s28], [sflag:$0x3] =	stream.linear.gather [hbm4b:s4+s5], $0x4000, $0x38;
	[tilespmem:$0x10200] =	vst v63  }
0x5d: {  	_ =	swait.ge [sflag:s23], $0x4000  }
0x5e: {  	[sflag:s23] =	ssyncset.done $0x0  }
0x5f: {  	[sflag:s23] =	ssyncadd.s32 $0xFFFFC000  }
0x60: {  	[tilespmem:s29], [sflag:$0x2] =	stream.indirect.gather [hbm4b:s3+s25], $0x80, s25, s25, $0xb8;
	[tilespmem:$0x10200] =	vst v63  }
0x61: {  	_ =	swait.ge [sflag:s30], $0x4000  }
0x62: {  	[sflag:s30] =	ssyncset.done $0x0  }
0x63: {  	s5 =	simm.s32 $0x0;
	[sflag:s30] =	ssyncadd.s32 $0xFFFFC000  }
0x64: {  	v1 =	vld [tilespmem:s5+$0x8100]  }
0x65: {  	v2 =	vld [tilespmem:s5+$0x150]  }
0x66: {  	v4 =	vld [tilespmem:s5+$0x140]  }
0x67: {  	v3 =	vimm.f32 $0.0e+00;
	v0 =	vimm.f32 $0.0e+00;
	s4 =	simm.s32 $0x200  }
.LBB2_7:
0x68: {  	p0 =	sne.s32 s4, $0xFE00  }
.Ltmp2:
0x69: {  	s5 =	sshra.s32 s4, $0x2;
	v5 =	vmov v1;
	(pc) =	sbr.rel @p0 .LBB2_7-.Ltmp2, $4  }
0x6a: {  	s4 =	sadd.s32 $0x200, s4;
	v1 =	vld [tilespmem:s5+$0x8100];
	v6 =	vmul.f32 v2, v5  }
0x6b: {  	v2 =	vld [tilespmem:s5+$0x150];
	v5 =	vmul.f32 v4, v5  }
0x6c: {  	v4 =	vld [tilespmem:s5+$0x140];
	v0 =	vadd.f32 v6, v0  }
0x6d: {  	v3 =	vadd.f32 v5, v3  }
0x6e: {  	_ =	sdelay $0x2  }
0x6f: {  	v4 =	vmul.f32 v4, v1  }
0x70: {  	v1 =	vmul.f32 v2, v1  }
0x71: {  	v2 =	vadd.f32 v4, v3  }
0x72: {  	v0 =	vadd.f32 v1, v0  }
0x73: {  	[tilespmem:$0x10140] =	vst v2  }
0x74: {  	s4 =	sadd.s32 s0, s15;
	s5 =	simm.s32 $0x0;
	[tilespmem:$0x10150] =	vst v0  }
0x75: {  	[tilespmem:s5], [sflag:$0x3] =	stream.linear.gather [hbm4b:s4+s5], $0x80, $0x38;
	[tilespmem:$0x10200] =	vst v63  }
0x76: {  	_ =	swait.ge [sflag:s23], $0x80  }
0x77: {  	[sflag:s23] =	ssyncset.done $0x0  }
0x78: {  	s4 =	sadd.s32 s2, s14;
	[sflag:s23] =	ssyncadd.s32 $0xFFFFFF80  }
0x79: {  	[tilespmem:s24], [sflag:$0x3] =	stream.linear.gather [hbm4b:s4+s5], $0x4000, $0x38;
	[tilespmem:$0x10200] =	vst v63  }
0x7a: {  	_ =	swait.ge [sflag:s23], $0x4000  }
0x7b: {  	[sflag:s23] =	ssyncset.done $0x0  }
0x7c: {  	[sflag:s23] =	ssyncadd.s32 $0xFFFFC000  }
0x7d: {  	[tilespmem:s26], [sflag:$0x1] =	stream.indirect.gather [hbm4b:s3+s25], $0x80, s5, s25, $0xb8;
	[tilespmem:$0x10200] =	vst v63  }
0x7e: {  	_ =	swait.ge [sflag:s31], $0x4000  }
0x7f: {  	[sflag:s31] =	ssyncset.done $0x0  }
0x80: {  	s5 =	simm.s32 $0x0;
	[sflag:s31] =	ssyncadd.s32 $0xFFFFC000  }
0x81: {  	v1 =	vld [tilespmem:s5+$0xC100]  }
0x82: {  	v2 =	vld [tilespmem:s5+$0x4170]  }
0x83: {  	v4 =	vld [tilespmem:s5+$0x4160]  }
0x84: {  	v3 =	vimm.f32 $0.0e+00;
	v0 =	vimm.f32 $0.0e+00;
	s4 =	simm.s32 $0x200  }
.LBB2_9:
0x85: {  	p0 =	sne.s32 s4, $0xFE00  }
.Ltmp3:
0x86: {  	s5 =	sshra.s32 s4, $0x2;
	v5 =	vmov v1;
	(pc) =	sbr.rel @p0 .LBB2_9-.Ltmp3, $4  }
0x87: {  	s4 =	sadd.s32 $0x200, s4;
	v1 =	vld [tilespmem:s5+$0xC100];
	v6 =	vmul.f32 v2, v5  }
0x88: {  	v2 =	vld [tilespmem:s5+$0x4170];
	v5 =	vmul.f32 v4, v5  }
0x89: {  	v4 =	vld [tilespmem:s5+$0x4160];
	v0 =	vadd.f32 v6, v0  }
0x8a: {  	v3 =	vadd.f32 v5, v3  }
0x8b: {  	_ =	sdelay $0x2  }
0x8c: {  	v4 =	vmul.f32 v4, v1  }
0x8d: {  	v1 =	vmul.f32 v2, v1  }
0x8e: {  	v2 =	vadd.f32 v4, v3  }
0x8f: {  	v0 =	vadd.f32 v1, v0  }
0x90: {  	[tilespmem:$0x10160] =	vst v2  }
0x91: {  	s4 =	sadd.s32 s0, s16;
	s5 =	simm.s32 $0x0;
	[tilespmem:$0x10170] =	vst v0  }
0x92: {  	[tilespmem:s25], [sflag:$0x3] =	stream.linear.gather [hbm4b:s4+s5], $0x80, $0x38;
	[tilespmem:$0x10200] =	vst v63  }
0x93: {  	_ =	swait.ge [sflag:s23], $0x80  }
0x94: {  	[sflag:s23] =	ssyncset.done $0x0  }
0x95: {  	s4 =	sadd.s32 s2, s17;
	[sflag:s23] =	ssyncadd.s32 $0xFFFFFF80  }
0x96: {  	[tilespmem:s28], [sflag:$0x3] =	stream.linear.gather [hbm4b:s4+s5], $0x4000, $0x38;
	[tilespmem:$0x10200] =	vst v63  }
0x97: {  	_ =	swait.ge [sflag:s23], $0x4000  }
0x98: {  	[sflag:s23] =	ssyncset.done $0x0  }
0x99: {  	[sflag:s23] =	ssyncadd.s32 $0xFFFFC000  }
0x9a: {  	[tilespmem:s29], [sflag:$0x2] =	stream.indirect.gather [hbm4b:s3+s25], $0x80, s25, s25, $0xb8;
	[tilespmem:$0x10200] =	vst v63  }
0x9b: {  	_ =	swait.ge [sflag:s30], $0x4000  }
0x9c: {  	[sflag:s30] =	ssyncset.done $0x0  }
0x9d: {  	s5 =	simm.s32 $0x0;
	[sflag:s30] =	ssyncadd.s32 $0xFFFFC000  }
0x9e: {  	v1 =	vld [tilespmem:s5+$0x8100]  }
0x9f: {  	v2 =	vld [tilespmem:s5+$0x110]  }
0xa0: {  	v4 =	vld [tilespmem:s5+$0x100]  }
0xa1: {  	v3 =	vimm.f32 $0.0e+00;
	v0 =	vimm.f32 $0.0e+00;
	s4 =	simm.s32 $0x200  }
.LBB2_11:
0xa2: {  	p0 =	sne.s32 s4, $0xFE00  }
.Ltmp4:
0xa3: {  	s5 =	sshra.s32 s4, $0x2;
	v5 =	vmov v1;
	(pc) =	sbr.rel @p0 .LBB2_11-.Ltmp4, $4  }
0xa4: {  	s4 =	sadd.s32 $0x200, s4;
	v1 =	vld [tilespmem:s5+$0x8100];
	v6 =	vmul.f32 v2, v5  }
0xa5: {  	v2 =	vld [tilespmem:s5+$0x110];
	v5 =	vmul.f32 v4, v5  }
0xa6: {  	v4 =	vld [tilespmem:s5+$0x100];
	v0 =	vadd.f32 v6, v0  }
0xa7: {  	v3 =	vadd.f32 v5, v3  }
0xa8: {  	_ =	sdelay $0x2  }
0xa9: {  	v4 =	vmul.f32 v4, v1  }
0xaa: {  	v1 =	vmul.f32 v2, v1  }
0xab: {  	v2 =	vadd.f32 v4, v3  }
0xac: {  	v0 =	vadd.f32 v1, v0  }
0xad: {  	[tilespmem:$0x10180] =	vst v2  }
0xae: {  	s4 =	sadd.s32 s0, s18;
	s5 =	simm.s32 $0x0;
	[tilespmem:$0x10190] =	vst v0  }
0xaf: {  	[tilespmem:s5], [sflag:$0x3] =	stream.linear.gather [hbm4b:s4+s5], $0x80, $0x38;
	[tilespmem:$0x10200] =	vst v63  }
0xb0: {  	_ =	swait.ge [sflag:s23], $0x80  }
0xb1: {  	[sflag:s23] =	ssyncset.done $0x0  }
0xb2: {  	s4 =	sadd.s32 s2, s19;
	[sflag:s23] =	ssyncadd.s32 $0xFFFFFF80  }
0xb3: {  	[tilespmem:s24], [sflag:$0x3] =	stream.linear.gather [hbm4b:s4+s5], $0x4000, $0x38;
	[tilespmem:$0x10200] =	vst v63  }
0xb4: {  	_ =	swait.ge [sflag:s23], $0x4000  }
0xb5: {  	[sflag:s23] =	ssyncset.done $0x0  }
0xb6: {  	[sflag:s23] =	ssyncadd.s32 $0xFFFFC000  }
0xb7: {  	[tilespmem:s26], [sflag:$0x1] =	stream.indirect.gather [hbm4b:s3+s25], $0x80, s5, s25, $0xb8;
	[tilespmem:$0x10200] =	vst v63  }
0xb8: {  	_ =	swait.ge [sflag:s31], $0x4000  }
0xb9: {  	[sflag:s31] =	ssyncset.done $0x0  }
0xba: {  	s5 =	simm.s32 $0x0;
	[sflag:s31] =	ssyncadd.s32 $0xFFFFC000  }
0xbb: {  	v1 =	vld [tilespmem:s5+$0xC100]  }
0xbc: {  	v2 =	vld [tilespmem:s5+$0x4130]  }
0xbd: {  	v4 =	vld [tilespmem:s5+$0x4120]  }
0xbe: {  	v3 =	vimm.f32 $0.0e+00;
	v0 =	vimm.f32 $0.0e+00;
	s4 =	simm.s32 $0x200  }
.LBB2_13:
0xbf: {  	p0 =	sne.s32 s4, $0xFE00  }
.Ltmp5:
0xc0: {  	s5 =	sshra.s32 s4, $0x2;
	v5 =	vmov v1;
	(pc) =	sbr.rel @p0 .LBB2_13-.Ltmp5, $4  }
0xc1: {  	s4 =	sadd.s32 $0x200, s4;
	v1 =	vld [tilespmem:s5+$0xC100];
	v6 =	vmul.f32 v2, v5  }
0xc2: {  	v2 =	vld [tilespmem:s5+$0x4130];
	v5 =	vmul.f32 v4, v5  }
0xc3: {  	v4 =	vld [tilespmem:s5+$0x4120];
	v0 =	vadd.f32 v6, v0  }
0xc4: {  	v3 =	vadd.f32 v5, v3  }
0xc5: {  	_ =	sdelay $0x2  }
0xc6: {  	v4 =	vmul.f32 v4, v1  }
0xc7: {  	v1 =	vmul.f32 v2, v1  }
0xc8: {  	v2 =	vadd.f32 v4, v3  }
0xc9: {  	v0 =	vadd.f32 v1, v0  }
0xca: {  	[tilespmem:$0x101A0] =	vst v2  }
0xcb: {  	s0 =	sadd.s32 s0, s20;
	s4 =	simm.s32 $0x0;
	[tilespmem:$0x101B0] =	vst v0  }
0xcc: {  	[tilespmem:s25], [sflag:$0x3] =	stream.linear.gather [hbm4b:s0+s4], $0x80, $0x38;
	[tilespmem:$0x10200] =	vst v63  }
0xcd: {  	_ =	swait.ge [sflag:s23], $0x80  }
0xce: {  	[sflag:s23] =	ssyncset.done $0x0  }
0xcf: {  	s2 =	sadd.s32 s2, s21;
	[sflag:s23] =	ssyncadd.s32 $0xFFFFFF80  }
0xd0: {  	[tilespmem:s28], [sflag:$0x3] =	stream.linear.gather [hbm4b:s2+s4], $0x4000, $0x38;
	[tilespmem:$0x10200] =	vst v63  }
0xd1: {  	_ =	swait.ge [sflag:s23], $0x4000  }
0xd2: {  	[sflag:s23] =	ssyncset.done $0x0  }
0xd3: {  	[sflag:s23] =	ssyncadd.s32 $0xFFFFC000  }
0xd4: {  	[tilespmem:s29], [sflag:$0x2] =	stream.indirect.gather [hbm4b:s3+s25], $0x80, s25, s25, $0xb8;
	[tilespmem:$0x10200] =	vst v63  }
0xd5: {  	_ =	swait.ge [sflag:s30], $0x4000  }
0xd6: {  	[sflag:s30] =	ssyncset.done $0x0  }
0xd7: {  	s5 =	simm.s32 $0x0;
	[sflag:s30] =	ssyncadd.s32 $0xFFFFC000  }
0xd8: {  	v1 =	vld [tilespmem:s5+$0x8100]  }
0xd9: {  	v2 =	vld [tilespmem:s5+$0x150]  }
0xda: {  	v4 =	vld [tilespmem:s5+$0x140]  }
0xdb: {  	v3 =	vimm.f32 $0.0e+00;
	v0 =	vimm.f32 $0.0e+00;
	s0 =	simm.s32 $0x200  }
.LBB2_15:
0xdc: {  	p0 =	sne.s32 s0, $0xFE00  }
.Ltmp6:
0xdd: {  	s2 =	sshra.s32 s0, $0x2;
	v5 =	vmov v1;
	(pc) =	sbr.rel @p0 .LBB2_15-.Ltmp6, $4  }
0xde: {  	s0 =	sadd.s32 $0x200, s0;
	v1 =	vld [tilespmem:s2+$0x8100];
	v6 =	vmul.f32 v2, v5  }
0xdf: {  	v2 =	vld [tilespmem:s2+$0x150];
	v5 =	vmul.f32 v4, v5  }
0xe0: {  	v4 =	vld [tilespmem:s2+$0x140];
	v0 =	vadd.f32 v6, v0  }
0xe1: {  	v3 =	vadd.f32 v5, v3  }
0xe2: {  	_ =	sdelay $0x2  }
0xe3: {  	v4 =	vmul.f32 v4, v1  }
0xe4: {  	v1 =	vmul.f32 v2, v1  }
0xe5: {  	v2 =	vadd.f32 v4, v3  }
0xe6: {  	v0 =	vadd.f32 v1, v0  }
0xe7: {  	[tilespmem:$0x101C0] =	vst v2  }
0xe8: {  	[tilespmem:$0x101D0] =	vst v0  }
0xe9: {  	_ =	swait.ge [sflag:s31], $0x4000  }
0xea: {  	[sflag:s31] =	ssyncset.done $0x0  }
0xeb: {  	s2 =	simm.s32 $0x0;
	[sflag:s31] =	ssyncadd.s32 $0xFFFFC000  }
0xec: {  	v1 =	vld [tilespmem:s2+$0xC100]  }
0xed: {  	v2 =	vld [tilespmem:s2+$0x4170]  }
0xee: {  	v4 =	vld [tilespmem:s2+$0x4160]  }
0xef: {  	s0 =	simm.s32 $0x200;
	v3 =	vimm.f32 $0.0e+00;
	v0 =	vimm.f32 $0.0e+00  }
.LBB2_17:
0xf0: {  	p0 =	sne.s32 s0, $0xFE00  }
.Ltmp7:
0xf1: {  	s2 =	sshra.s32 s0, $0x2;
	v5 =	vmov v1;
	(pc) =	sbr.rel @p0 .LBB2_17-.Ltmp7, $4  }
0xf2: {  	s0 =	sadd.s32 $0x200, s0;
	v1 =	vld [tilespmem:s2+$0xC100];
	v6 =	vmul.f32 v2, v5  }
0xf3: {  	v2 =	vld [tilespmem:s2+$0x4170];
	v5 =	vmul.f32 v4, v5  }
0xf4: {  	v4 =	vld [tilespmem:s2+$0x4160];
	v0 =	vadd.f32 v6, v0  }
0xf5: {  	v3 =	vadd.f32 v5, v3  }
0xf6: {  	_ =	sdelay $0x1  }
0xf7: {  	v62 =	vmul.f32 v2, v1  }
0xf8: {  	v4 =	vmul.f32 v4, v1  }
0xf9: {  	s0 =	sshll.u32 s22, $0x4;
	s1 =	sshll.u32 s1, $0x5;
	v0 =	vadd.f32 v62, v0  }
0xfa: {  	s5 =	simm.s32 $0x400;
	s22 =	sadd.s32 $0x1, s22;
	s0 =	sand.u32 $0x70, s0;
	v63 =	vadd.f32 v4, v3  }
0xfb: {  	s1 =	sand.u32 $0xFFFFF00, s1;
	p0 =	sne.s32 s22, $0x140;
	s0 =	sadd.s32 s6, s0;
	[tilespmem:$0x101F0] =	vst v0  }
.Ltmp8:
0xfc: {  	s2 =	simm.s32 $0x10100;
	s0 =	sadd.s32 s1, s0;
	[tilespmem:$0x101E0] =	vst v63;
	(pc) =	sbr.rel @p0 .LBB2_2-.Ltmp8, $4  }
0xfd: {  	[hbm4b:s0+s25] =	stream.strided.scatter [tilespmem:s2], [sflag:$0x3], $0x100, s5, s25, $0x38;
	[tilespmem:$0x10200] =	vst v63  }
0xfe: {  	_ =	swait.ge [sflag:s23], $0x100  }
0xff: {  	[sflag:s23] =	ssyncset.done $0x0  }
0x100: {  	[sflag:s23] =	ssyncadd.s32 $0xFFFFFF00  }
0x101: {  	s5 =	rddreg [dreg:$0x2]  }
0x102: {  	s0 =	rddreg [dreg:$0x5];
	s5 =	sadd.s32 $0x1, s5  }
0x103: {  	p0 =	sne.s32 s5, s0  }
.Ltmp9:
0x104: {  	_ = 	snop;
	(pc) =	sbr.rel @p0 .LBB2_1-.Ltmp9, $1  }
0x105: {  	_ =	sdelay $0x3  }
0x106: {  	_ =	sfence.sel $0x180000  }
0x107: {  	[bflag:$0x0] =	sbarrier.arrive $0xFFFF  }
0x108: {  	_ =	strace $0x90000053  }
0x109: {  	s0 =	stileid.u32;
	[bflag:$0x2] =	sbarrier.arrive $0xFFFF  }
0x10a: {  	p0 =	sne.s32 s0, $0x0;
	s0 =	rddreg [dreg:$0x1]  }
0x10b: {  	s0 =	sadd.s32 @!p0 $0x100000, s0  }
0x10c: {  	[sflag:s0] =	ssyncadd.tile.s32 @!p0 $0x1;
	_ =	shalt  }
.Lfunc_end2:
_tile_overlayer_lowered:
.L_overlay_start_2:
0x10d: {  	(tag) =	ssettag $0x2  }
0x10e: {  	s0 =	rddreg [dreg:$0x0];
	s2 =	stileid.u32  }
0x10f: {  	s1 =	rddreg [dreg:$0x1];
	p0 =	sne.s32 s2, $0x0  }
0x110: {  	s3 =	rddreg [dreg:$0x2];
	[bflag:$0x3] =	sbarrier.arrive $0xFFFF;
	s2 =	simm.s32 @!p0 $0x1C03  }
0x111: {  	[timem:s3], [sflag:s2] =	dma.local @!p0 [hbm:s0], s1  }
0x112: {  	s0 =	simm.s32 @!p0 $0x3  }
0x113: {  	_ =	swait.ge @!p0 [sflag:s0], s1  }
0x114: {  	s1 =	ssub.s32 @!p0 $0x0, s1;
	[sflag:s0] =	ssyncset.done @!p0 $0x0  }
0x115: {  	[sflag:s0] =	ssyncadd.s32 @!p0 s1  }
0x116: {  	[bflag:$0x3] =	sbarrier.arrive $0xFFFF  }
0x117: {  	_ =	shalt  }

// kernel: sparse-core-data-format-call.1.cloned.1.call-start
scs
called_computation.1_lowered:
.L_overlay_start_0:
0x0: {  	s1 =	sld [smem:$0x3FD9]  }
0x1: {  	s2 =	sld [smem:$0x3FFE];
	_ =	sdelay $0x1  }
0x2: {  	s3 =	srdreg.scid  }
0x3: {  	s0 =	sand.u32 $0x1, s3  }
0x4: {  	s17 =	sshll.u32 s0, $0xA;
	s1 =	sadd.s32 s2, s1  }
0x5: {  	s1 =	sadd.s32 s1, s17  }
0x6: {  	[smem:$0x3FBE] =	sst s1  }
0x7: {  	_ = 	snop  }
0x8: {  	(tm) =	ssettm $0x1  }
0x9: {  	s18 =	sld [smem:$0x3FFB];
	_ =	sdelay $0x3  }
0xa: {  	_ =	strace s18  }
0xb: {  	s1 =	sld [smem:$0x3FFC];
	_ =	sdelay $0x3  }
0xc: {  	_ =	strace s1  }
0xd: {  	s1 =	sld [smem:$0x3FFD];
	_ =	sdelay $0x3  }
0xe: {  	_ =	strace s1  }
0xf: {  	_ =	strace $0x8FFFFFFF  }
0x10: {  	s19 =	sld [smem:$0x3FDB];
	_ =	sdelay $0x1  }
0x11: {  	s20 =	simm.s32 $_scs_section_size  }
0x12: {  	s4 =	simm.s32 $_size__tile_overlayer_lowered;
	s5 =	simm.s32 $_tile_overlayer_lowered  }
0x13: {  	s23 =	simm.s32 $0x1BFF;
	s22 =	sshll.u32 s5, $0x1;
	s1 =	sadd.s32 s20, s19  }
0x14: {  	s6 =	simm.s32 $0x0;
	s21 =	sshll.u32 s4, $0x1;
	s4 =	sadd.s32 s22, s1  }
0x15: {  	[timem:s6], [sflag:s23] =	dma.local [hbm:s4], s21  }
0x16: {  	_ =	swait.ge [sflag:s23], s21  }
0x17: {  	s2 =	ssub.s32 $0x0, s21;
	[sflag:s23] =	ssyncset.done $0x0  }
0x18: {  	[sflag:s23] =	ssyncadd.s32 s2;
	_ =	sdelay $0x1  }
0x19: {  	s24 =	simm.s32 $0x1B8B  }
0x1a: {  	_ =	swait.ge [sflag:s24], $0x1  }
0x1b: {  	[sflag:s24] =	ssyncset.done $0x0  }
0x1c: {  	s26 =	simm.s32 $0x1B8E;
	s25 =	sld [smem:$0x3FFE];
	[sflag:s24] =	ssyncadd.s32 $0xFFFFFFFF  }
0x1d: {  	s27 =	simm.s32 $execute0_lowered;
	[smem:$0x3FD2] =	sst s26  }
0x1e: {  	s4 =	sshll.u32 s27, $0x1;
	_ =	strace $0x80000046;
	[dreg:$0x1] =	wrdreg $0xFFFFFFFF  }
0x1f: {  	s28 =	simm.s32 $_size_execute0_lowered;
	s1 =	sadd.s32 s1, s4;
	[dreg:$0x0] =	wrdreg $0x0  }
0x20: {  	s4 =	sshll.u32 s28, $0x1;
	[dreg:$0x2] =	wrdreg s1  }
0x21: {  	[dreg:$0x3] =	wrdreg s4  }
0x22: {  	[dreg:$0x4] =	wrdreg $0xC0  }
0x23: {  	_ =	task [dreg:s6], $0x5FFFF  }
0x24: {  	[dreg:$0x1] =	wrdreg $0xFFFFFFFF  }
0x25: {  	[dreg:$0x0] =	wrdreg $0x60  }
0x26: {  	[dreg:$0x2] =	wrdreg s25  }
0x27: {  	[dreg:$0x3] =	wrdreg $0x9  }
0x28: {  	_ =	task.clear_ibuf [dreg:s6], $0x4FFFF;
	_ =	strace $0x90000046  }
0x29: {  	s29 =	simm.s32 $0x9;
	_ =	strace $0x80000048  }
0x2a: {  	_ =	swait.ge [sflag:s29], $0x1  }
0x2b: {  	[sflag:s29] =	ssyncadd.s32 $0xFFFFFFFF  }
0x2c: {  	_ =	strace $0x90000048  }
0x2d: {  	_ =	sfence  }
0x2e: {  	s30 =	sld [smem:$0x0];
	_ =	sdelay $0x2  }
0x2f: {  	s31 =	sshll.u32 s3, $0xD;
	s3 =	sshrl.u32 s3, $0x2  }
0x30: {  	s2 =	sand.u32 $0x4000, s31;
	s1 =	sadd.s32 s3, s30  }
0x31: {  	s0 =	sor.u32 s2, s0;
	s1 =	sshll.u32 s1, $0x11  }
0x32: {  	s0 =	sor.u32 s1, s0  }
0x33: {  	s0 =	sadd.s32 $0x8F2B, s0  }
0x34: {  	[sflag:s0] =	ssyncadd.remote.s32 $0x1  }
0x35: {  	_ =	sfence.sel $0xFFFF  }
0x36: {  	[dreg:$0x0] =	wrdreg $0xFFFFFFFF;
	(pc) =	sbr.abs _section_cstart, $3  }
0x37: {  	[dreg:$0x1] =	wrdreg $0xFFFFFFFF  }
0x38: {  	_ =	task.clear_ibuf [dreg:s6], $0x2FFFF;
	_ =	strace $0x9FFFFFFF  }
0x39: {  	(tm) =	ssettm $0x7FFFFFFF  }
tec
execute0_lowered:
.L_overlay_start_1:
0x0: {  	(tag) =	ssettag $0x1  }
0x1: {  	s0 =	rddreg [dreg:$0x0];
	s1 =	stileid.u32  }
0x2: {  	s2 =	srdreg.scid;
	_ =	strace $0x80000047;
	s5 =	simm.s32 $0x1  }
0x3: {  	s31 =	simm.s32 $0x2;
	s19 =	simm.s32 $0x0;
	s9 =	simm.s32 $0x13C00  }
0x4: {  	s10 =	simm.s32 $0x0;
	s17 =	simm.s32 $0x0;
	s18 =	simm.s32 $0x0  }
0x5: {  	s20 =	simm.s32 $0x0;
	s21 =	simm.s32 $0x0;
	s11 =	simm.s32 $0x0  }
0x6: {  	s13 =	simm.s32 $0x0;
	s3 =	sshll.u32 s1, $0x4;
	s4 =	sshll.u32 s2, $0x8  }
.Ltmp0:
0x7: {  	s14 =	simm.s32 $0x0;
	s4 =	sor.u32 s3, s4;
	(pc) =	sbr.rel .LBB1_1-.Ltmp0, $4  }
0x8: {  	s16 =	simm.s32 $0x0;
	s2 =	sadd.s32 $0x13F600, s0;
	s4 =	sand.u32 $0x180, s4  }
0x9: {  	[sflag:s5] =	ssyncpa.u1 $0x0;
	s6 =	sand.u32 $0x7, s1;
	s7 =	ssub.s32 $0x2700, s4  }
0xa: {  	s3 =	sadd.s32 $0x3600, s0;
	[sflag:s31] =	ssyncpa.u1 $0x0;
	s7 =	sshrl.u32 s7, $0x9  }
0xb: {  	s15 =	smov.u32 s6;
	s12 =	smov.u32 s4;
	s8 =	sadd.s32 $0x2, s7  }
.LBB1_9:
0xc: {  	s0 =	sadd.s32 $0x200, s12  }
0xd: {  	s17 =	sadd.s32 $0x8, s11;
	s22 =	smov.u32 s11;
	p1 =	sgt.s32 s0, $0x270F  }
0xe: {  	s22 =	smov.u32 @p1 s17  }
0xf: {  	s23 =	smov.u32 s13;
	s17 =	sadd.s32 $0x4, s13;
	p2 =	sgt.s32 s22, $0x7  }
0x10: {  	s23 =	smov.u32 @p2 s17  }
0x11: {  	s24 =	smov.u32 s14;
	s17 =	sadd.s32 $0x4, s14;
	p3 =	sgt.s32 s23, $0x3  }
0x12: {  	p0 =	slt.u32 s16, $0x2;
	s25 =	smov.u32 s15;
	s24 =	smov.u32 @p3 s17  }
0x13: {  	s19 =	smov.u32 s12;
	s17 =	sadd.s32 $0x8, s15;
	p4 =	sgt.s32 s24, $0x3  }
0x14: {  	s18 =	smov.u32 s13;
	s20 =	smov.u32 s14;
	s25 =	smov.u32 @p4 s17  }
0x15: {  	s21 =	smov.u32 s15;
	s0 =	smov.u32 @p1 s4;
	p1 =	sgt.s32 s25, $0x7  }
0x16: {  	s26 =	simm.s32 @!p0 $0x2;
	s25 =	smov.u32 @p1 s6;
	p1 =	sne.s32 s16, s8  }
.Ltmp1:
0x17: {  	s10 =	sadd.s32 $0x4000, s10;
	_ =	swait.ge @!p0 [sflag:s26], $0x4000;
	(pc) =	sbr.rel @!p1 .LBB1_10-.Ltmp1, $4  }
0x18: {  	[sflag:s26] =	ssyncset.done @!p0 $0x0;
	s12 =	smov.u32 s0;
	s23 =	simm.s32 @p3 $0x0  }
0x19: {  	s22 =	simm.s32 @p2 $0x0;
	[sflag:s26] =	ssyncadd.s32 @!p0 $0xFFFFC000;
	s13 =	smov.u32 s23  }
0x1a: {  	s24 =	simm.s32 @p4 $0x0;
	s17 =	smov.u32 s11;
	s11 =	smov.u32 s22  }
0x1b: {  	s14 =	smov.u32 s24;
	s16 =	sadd.s32 $0x1, s16;
	s15 =	smov.u32 s25  }
.LBB1_1:
0x1c: {  	p0 =	sgt.u32 s16, s7  }
0x1d: {  	s0 =	sshrl.u32 @!p0 s11, $0x3  }
0x1e: {  	s22 =	sshll.u32 @!p0 s12, $0x3;
	s0 =	smul.u32 @!p0 $0x13C00, s0  }
0x1f: {  	s23 =	sshll.u32 @!p0 s11, $0x7;
	s22 =	sand.u32 @!p0 $0xFFFFFC00, s22  }
0x20: {  	s0 =	sadd.s32 @!p0 s0, s22;
	s22 =	sand.u32 @!p0 $0x380, s23  }
0x21: {  	s25 =	smul.u32 @!p0 $0x27800, s15;
	s23 =	sand.u32 @!p0 $0x7F, s12;
	s0 =	sor.u32 @!p0 s22, s0  }
0x22: {  	s26 =	smul.u32 @!p0 $0x9E00, s14;
	s22 =	sor.u32 @!p0 s23, s0  }
0x23: {  	s23 =	smulhi.u32 @!p0 $0xCF6474A9, s22  }
0x24: {  	s0 =	smulhi.u32 @!p0 $0xCF6474A9, s0  }
0x25: {  	s27 =	smul.u32 @!p0 $0x2780, s13;
	s23 =	sshrl.u32 @!p0 s23, $0xD  }
0x26: {  	s24 =	sxor.u32 @!p0 $0xFFFFFFFF, s16;
	s0 =	sshrl.u32 @!p0 s0, $0xD;
	s23 =	smul.u32 @!p0 $0x2780, s23  }
0x27: {  	s24 =	sshll.u32 @!p0 s24, $0xE;
	s25 =	sadd.s32 @!p0 s2, s25;
	s0 =	sand.u32 @!p0 $0x7, s0  }
0x28: {  	s0 =	smul.u32 @!p0 $0x4F0, s0;
	s22 =	ssub.s32 @!p0 s22, s23;
	s23 =	sadd.s32 @!p0 s26, s25  }
0x29: {  	s24 =	sand.u32 @!p0 $0x4000, s24;
	s23 =	sadd.s32 @!p0 s27, s23;
	s25 =	sand.u32 @!p0 $0x7, s22  }
0x2a: {  	s22 =	sshrl.u32 @!p0 s22, $0x3;
	s0 =	sadd.s32 @!p0 s0, s23;
	s23 =	sshll.u32 @!p0 s25, $0x12  }
0x2b: {  	s0 =	sadd.s32 @!p0 s22, s0;
	s22 =	sor.u32 @!p0 $0x400, s23;
	s23 =	simm.s32 @!p0 $0x13C00  }
0x2c: {  	[tilespmem:s24], [sflag:$0x1] =	stream.strided.gather @!p0 [hbm4b:s0+s22], $0x4000, s23, s22, $0x38;
	[tilespmem:$0x10000] =	vst v63  }
0x2d: {  	p0 =	seq.s32 s16, $0x0  }
0x2e: {  	p1 =	sge.u32 @!p0 s16, s8  }
0x2f: {  	p0 =	por p0, p1  }
.Ltmp2:
0x30: {  	_ = 	snop;
	(pc) =	sbr.rel @p0 .LBB1_9-.Ltmp2, $1  }
0x31: {  	_ =	sdelay $0x3  }
0x32: {  	s0 =	sand.u32 $0x4000, s10  }
0x33: {  	_ =	swait.ge [sflag:s5], $0x4000;
	s22 =	sshll.u32 s16, $0xE;
	s25 =	simm.s32 $0x0  }
0x34: {  	s23 =	sor.u32 $0x40, s0;
	[sflag:s5] =	ssyncset.done $0x0;
	s31 =	sand.u32 $0x4000, s22  }
0x35: {  	s24 =	sor.u32 $0x8040, s0;
	[sflag:s5] =	ssyncadd.s32 $0xFFFFC000;
	s22 =	sor.u32 $0x8000, s31  }
.LBB1_3:
0x36: {  	s26 =	smov.u32 s24;
	s27 =	smov.u32 s23;
	s28 =	simm.s32 $0x0  }
.LBB1_4:
0x37: {  	v0 =	vmov s26;
	v2 =	vld [tilespmem:s27+$0x30]  }
0x38: {  	v4 =	vld [tilespmem:s27+$0xFFFFFFD0]  }
0x39: {  	v6 =	vld [tilespmem:s27+$0xFFFFFFE0]  }
0x3a: {  	v7 =	vld [tilespmem:s27+$0xFFFFFFF0]  }
0x3b: {  	s29 =	simm.s32 $0x0;
	v1 =	vld [tilespmem:s27+$0x0]  }
0x3c: {  	v3 =	vld [tilespmem:s27+$0x10];
	[tilespmem:v0+s29+$0x30 ss:$0x1] =	vst.idx.msk $0xffff, v2  }
0x3d: {  	v5 =	vld [tilespmem:s27+$0x20];
	[tilespmem:v0+s29+$0xFFFFFFD0 ss:$0x1] =	vst.idx.msk $0xffff, v4  }
0x3e: {  	s30 =	sadd.s32 $0x80, s27;
	v2 =	vld [tilespmem:s27+$0xFFFFFFC0];
	[tilespmem:v0+s29+$0xFFFFFFE0 ss:$0x1] =	vst.idx.msk $0xffff, v6  }
0x3f: {  	s31 =	simm.s32 $0x800;
	s0 =	simm.s32 $0x1000;
	v4 =	vld [tilespmem:s30+$0x30];
	[tilespmem:v0+s29+$0xFFFFFFF0 ss:$0x1] =	vst.idx.msk $0xffff, v7  }
.LBB1_5:
0x40: {  	p0 =	sne.s32 s0, $0x3800;
	v6 =	vld [tilespmem:s30+$0xFFFFFFD0];
	[tilespmem:v0+s29+$0x0 ss:$0x1] =	vst.idx.msk $0xffff, v1  }
0x41: {  	v7 =	vld [tilespmem:s30+$0xFFFFFFE0];
	[tilespmem:v0+s29+$0x10 ss:$0x1] =	vst.idx.msk $0xffff, v3  }
0x42: {  	v8 =	vld [tilespmem:s30+$0xFFFFFFF0];
	[tilespmem:v0+s29+$0x20 ss:$0x1] =	vst.idx.msk $0xffff, v5  }
.Ltmp3:
0x43: {  	v1 =	vld [tilespmem:s30+$0x0];
	[tilespmem:v0+s29+$0xFFFFFFC0 ss:$0x1] =	vst.idx.msk $0xffff, v2;
	s29 =	sshra.s32 s31, $0x2;
	s31 =	smov.u32 s0;
	(pc) =	sbr.rel @p0 .LBB1_5-.Ltmp3, $4  }
0x44: {  	v3 =	vld [tilespmem:s30+$0x10];
	[tilespmem:v0+s29+$0x30 ss:$0x1] =	vst.idx.msk $0xffff, v4  }
0x45: {  	[tilespmem:v0+s29+$0xFFFFFFD0 ss:$0x1] =	vst.idx.msk $0xffff, v6;
	v5 =	vld [tilespmem:s30+$0x20]  }
0x46: {  	v2 =	vld [tilespmem:s30+$0xFFFFFFC0];
	[tilespmem:v0+s29+$0xFFFFFFE0 ss:$0x1] =	vst.idx.msk $0xffff, v7;
	s30 =	sadd.s32 $0x80, s30  }
0x47: {  	s0 =	sadd.s32 $0x800, s0;
	v4 =	vld [tilespmem:s30+$0x30];
	[tilespmem:v0+s29+$0xFFFFFFF0 ss:$0x1] =	vst.idx.msk $0xffff, v8  }
0x48: {  	_ =	sdelay $0x3  }
0x49: {  	v6 =	vld [tilespmem:s30+$0xFFFFFFD0];
	[tilespmem:v0+s29+$0x0 ss:$0x1] =	vst.idx.msk $0xffff, v1  }
0x4a: {  	v58 =	vld [tilespmem:s30+$0xFFFFFFE0];
	[tilespmem:v0+s29+$0x10 ss:$0x1] =	vst.idx.msk $0xffff, v3  }
0x4b: {  	v59 =	vld [tilespmem:s30+$0xFFFFFFF0];
	[tilespmem:v0+s29+$0x20 ss:$0x1] =	vst.idx.msk $0xffff, v5  }
0x4c: {  	s0 =	sshra.s32 s31, $0x2;
	v60 =	vld [tilespmem:s30+$0x0];
	[tilespmem:v0+s29+$0xFFFFFFC0 ss:$0x1] =	vst.idx.msk $0xffff, v2  }
0x4d: {  	v61 =	vld [tilespmem:s30+$0x10];
	[tilespmem:v0+s0+$0x30 ss:$0x1] =	vst.idx.msk $0xffff, v4  }
0x4e: {  	v62 =	vld [tilespmem:s30+$0x20];
	s28 =	sadd.s32 $0x1, s28;
	[tilespmem:v0+s0+$0xFFFFFFD0 ss:$0x1] =	vst.idx.msk $0xffff, v6  }
0x4f: {  	v63 =	vld [tilespmem:s30+$0xFFFFFFC0];
	p0 =	sne.s32 s28, $0x4;
	[tilespmem:v0+s0+$0xFFFFFFE0 ss:$0x1] =	vst.idx.msk $0xffff, v58  }
.Ltmp4:
0x50: {  	[tilespmem:v0+s0+$0xFFFFFFF0 ss:$0x1] =	vst.idx.msk $0xffff, v59;
	(pc) =	sbr.rel @p0 .LBB1_4-.Ltmp4, $4  }
0x51: {  	[tilespmem:v0+s0+$0x0 ss:$0x1] =	vst.idx.msk $0xffff, v60  }
0x52: {  	[tilespmem:v0+s0+$0x10 ss:$0x1] =	vst.idx.msk $0xffff, v61  }
0x53: {  	[tilespmem:v0+s0+$0x20 ss:$0x1] =	vst.idx.msk $0xffff, v62  }
0x54: {  	s27 =	sadd.s32 $0x400, s27;
	s26 =	sadd.s32 $0x80, s26;
	[tilespmem:v0+s0+$0xFFFFFFC0 ss:$0x1] =	vst.idx.msk $0xffff, v63  }
0x55: {  	s25 =	sadd.s32 $0x1, s25  }
0x56: {  	p0 =	sne.s32 s25, $0x4  }
.Ltmp5:
0x57: {  	_ = 	snop;
	(pc) =	sbr.rel @p0 .LBB1_3-.Ltmp5, $2  }
0x58: {  	_ =	sdelay $0x2  }
0x59: {  	s23 =	sadd.s32 $0x1000, s23;
	s24 =	sadd.s32 $0x1000, s24  }
0x5a: {  	s0 =	sshrl.u32 s21, $0x3  }
0x5b: {  	s23 =	sshll.u32 s19, $0x3;
	s0 =	smul.u32 $0x13C00, s0  }
0x5c: {  	s27 =	sshll.u32 s21, $0x7;
	s23 =	sand.u32 $0xFFFFFC00, s23  }
0x5d: {  	s21 =	sand.u32 $0x380, s27;
	s0 =	sadd.s32 s0, s23  }
0x5e: {  	s28 =	sand.u32 $0x7F, s19;
	s20 =	smul.u32 $0x4F000, s20;
	s0 =	sor.u32 s21, s0  }
0x5f: {  	s19 =	sor.u32 s28, s0;
	s0 =	smulhi.u32 $0xCF6474A9, s0  }
0x60: {  	s29 =	smulhi.u32 $0xCF6474A9, s19  }
0x61: {  	s18 =	smul.u32 $0x2780, s18  }
0x62: {  	s17 =	smul.u32 $0x9E00, s17;
	s0 =	sshrl.u32 s0, $0xD;
	s21 =	sshrl.u32 s29, $0xD  }
0x63: {  	s0 =	sand.u32 $0x7, s0;
	s21 =	smul.u32 $0x2780, s21  }
0x64: {  	s20 =	sadd.s32 s3, s20;
	s0 =	smul.u32 $0x4F0, s0  }
.Ltmp6:
0x65: {  	s18 =	sadd.s32 s18, s20;
	s19 =	ssub.s32 s19, s21;
	(pc) =	sbr.rel .LBB1_9-.Ltmp6, $4  }
0x66: {  	s17 =	sadd.s32 s17, s18;
	s30 =	sand.u32 $0x7, s19  }
0x67: {  	s0 =	sadd.s32 s0, s17;
	s19 =	sshrl.u32 s19, $0x3;
	s31 =	sshll.u32 s30, $0x12  }
0x68: {  	s0 =	sadd.s32 s19, s0;
	s17 =	sor.u32 $0x80, s31  }
0x69: {  	[hbm4b:s0+s17] =	stream.strided.scatter [tilespmem:s22], [sflag:$0x2], $0x4000, s9, s17, $0x38;
	[tilespmem:$0x10000] =	vst v63  }
.LBB1_10:
0x6a: {  	_ =	sfence.sel $0x180000  }
0x6b: {  	s0 =	simm.s32 $0x1;
	[bflag:$0x0] =	sbarrier.arrive $0xFFFF  }
0x6c: {  	s31 =	simm.s32 $0x2;
	[sflag:s0] =	ssyncpa.u1 $0x1  }
0x6d: {  	[sflag:s31] =	ssyncpa.u1 $0x1  }
0x6e: {  	_ =	strace $0x90000047  }
0x6f: {  	[bflag:$0x2] =	sbarrier.arrive $0xFFFF  }
0x70: {  	p0 =	sne.s32 s1, $0x0;
	s0 =	rddreg [dreg:$0x1]  }
0x71: {  	s0 =	sadd.s32 @!p0 $0x100000, s0  }
0x72: {  	[sflag:s0] =	ssyncadd.tile.s32 @!p0 $0x1;
	_ =	shalt  }
.Lfunc_end1:
_tile_overlayer_lowered:
.L_overlay_start_2:
0x73: {  	(tag) =	ssettag $0x2  }
0x74: {  	s0 =	rddreg [dreg:$0x0];
	s2 =	stileid.u32  }
0x75: {  	s1 =	rddreg [dreg:$0x1];
	p0 =	sne.s32 s2, $0x0  }
0x76: {  	s3 =	rddreg [dreg:$0x2];
	[bflag:$0x3] =	sbarrier.arrive $0xFFFF;
	s2 =	simm.s32 @!p0 $0x1C01  }
0x77: {  	[timem:s3], [sflag:s2] =	dma.local @!p0 [hbm:s0], s1  }
0x78: {  	s0 =	simm.s32 @!p0 $0x1  }
0x79: {  	_ =	swait.ge @!p0 [sflag:s0], s1  }
0x7a: {  	s1 =	ssub.s32 @!p0 $0x0, s1;
	[sflag:s0] =	ssyncset.done @!p0 $0x0  }
0x7b: {  	[sflag:s0] =	ssyncadd.s32 @!p0 s1  }
0x7c: {  	[bflag:$0x3] =	sbarrier.arrive $0xFFFF  }
0x7d: {  	_ =	shalt  }

// kernel: sparse-core-data-format-call.2.cloned.1.call-start
scs
called_computation.2_lowered:
.L_overlay_start_0:
0x0: {  	s2 =	sld [smem:$0x3FD9]  }
0x1: {  	s3 =	sld [smem:$0x3FFE];
	_ =	sdelay $0x1  }
0x2: {  	s1 =	srdreg.scid  }
0x3: {  	s0 =	sand.u32 $0x1, s1  }
0x4: {  	s18 =	sshll.u32 s0, $0xA;
	s2 =	sadd.s32 s3, s2  }
0x5: {  	s2 =	sadd.s32 s2, s18  }
0x6: {  	[smem:$0x3FBE] =	sst s2  }
0x7: {  	_ = 	snop  }
0x8: {  	(tm) =	ssettm $0x1  }
0x9: {  	s19 =	sld [smem:$0x3FFB];
	_ =	sdelay $0x3  }
0xa: {  	_ =	strace s19  }
0xb: {  	s2 =	sld [smem:$0x3FFC];
	_ =	sdelay $0x3  }
0xc: {  	_ =	strace s2  }
0xd: {  	s2 =	sld [smem:$0x3FFD];
	_ =	sdelay $0x3  }
0xe: {  	_ =	strace s2  }
0xf: {  	_ =	strace $0x8FFFFFFF  }
0x10: {  	s20 =	sld [smem:$0x3FDB];
	_ =	sdelay $0x1  }
0x11: {  	s21 =	simm.s32 $_scs_section_size  }
0x12: {  	s4 =	simm.s32 $_size__tile_overlayer_lowered;
	s5 =	simm.s32 $_tile_overlayer_lowered  }
0x13: {  	s6 =	simm.s32 $0x1BFF;
	s22 =	sshll.u32 s5, $0x1;
	s3 =	sadd.s32 s21, s20  }
0x14: {  	s23 =	simm.s32 $0x0;
	s4 =	sshll.u32 s4, $0x1;
	s5 =	sadd.s32 s22, s3  }
0x15: {  	[timem:s23], [sflag:s6] =	dma.local [hbm:s5], s4  }
0x16: {  	_ =	swait.ge [sflag:s6], s4  }
0x17: {  	s4 =	ssub.s32 $0x0, s4;
	[sflag:s6] =	ssyncset.done $0x0  }
0x18: {  	[sflag:s6] =	ssyncadd.s32 s4;
	_ =	sdelay $0x1  }
0x19: {  	s24 =	simm.s32 $0x1B8B  }
0x1a: {  	_ =	swait.ge [sflag:s24], $0x1  }
0x1b: {  	[sflag:s24] =	ssyncset.done $0x0  }
0x1c: {  	[sflag:s24] =	ssyncadd.s32 $0xFFFFFFFF  }
0x1d: {  	s4 =	sld [smem:$0x0]  }
0x1e: {  	s5 =	sand.u32 $0xFFFFFFFE, s1  }
0x1f: {  	p0 =	sne.s32 s1, s5  }
0x20: {  	s5 =	sshll.u32 @p0 s5, $0xE  }
0x21: {  	s5 =	sadd.s32 @p0 $0x11B8D, s5;
	s6 =	sshll.u32 @p0 s4, $0x11  }
0x22: {  	s5 =	sor.u32 @p0 s6, s5  }
0x23: {  	[sflag:s5] =	ssyncadd.remote.s32 @p0 $0x1;
	_ =	sdelay $0x1  }
0x24: {  	s5 =	simm.s32 @p0 $0x1B8D  }
0x25: {  	_ =	swait.eq @p0 [sflag:s5], $0x1  }
0x26: {  	[sflag:s5] =	ssyncadd.s32 @p0 $0xFFFFFFFF  }
0x27: {  	s6 =	sshll.u32 @!p0 s1, $0xE  }
0x28: {  	s6 =	sor.u32 @!p0 $0x4000, s6;
	s5 =	simm.s32 @!p0 $0x1B8D  }
0x29: {  	s4 =	sshll.u32 @!p0 s4, $0x11;
	s6 =	sadd.s32 @!p0 $0x11B8D, s6;
	_ =	swait.eq @!p0 [sflag:s5], $0x1  }
0x2a: {  	s4 =	sor.u32 @!p0 s4, s6;
	[sflag:s5] =	ssyncadd.s32 @!p0 $0xFFFFFFFF  }
0x2b: {  	s26 =	simm.s32 $0x1B8E;
	s25 =	sld [smem:$0x3FFE];
	[sflag:s4] =	ssyncadd.remote.s32 @!p0 $0x1  }
0x2c: {  	s27 =	simm.s32 $execute0_lowered;
	[smem:$0x3FD2] =	sst s26  }
0x2d: {  	s5 =	sshll.u32 s27, $0x1;
	_ =	strace $0x8000004F;
	[dreg:$0x1] =	wrdreg $0xFFFFFFFF  }
0x2e: {  	s28 =	simm.s32 $_size_execute0_lowered;
	s3 =	sadd.s32 s3, s5;
	[dreg:$0x0] =	wrdreg $0x0  }
0x2f: {  	s5 =	sshll.u32 s28, $0x1;
	[dreg:$0x2] =	wrdreg s3  }
0x30: {  	[dreg:$0x3] =	wrdreg s5  }
0x31: {  	[dreg:$0x4] =	wrdreg $0xC0  }
0x32: {  	_ =	task [dreg:s23], $0x5FFFF  }
0x33: {  	[dreg:$0x1] =	wrdreg $0xFFFFFFFF  }
0x34: {  	[dreg:$0x0] =	wrdreg $0x60  }
0x35: {  	[dreg:$0x2] =	wrdreg s25  }
0x36: {  	[dreg:$0x3] =	wrdreg $0xA  }
0x37: {  	_ =	task.clear_ibuf [dreg:s23], $0x4FFFF;
	_ =	strace $0x9000004F  }
0x38: {  	s29 =	simm.s32 $0xA;
	_ =	strace $0x80000051  }
0x39: {  	_ =	swait.ge [sflag:s29], $0x1  }
0x3a: {  	[sflag:s29] =	ssyncadd.s32 $0xFFFFFFFF  }
0x3b: {  	_ =	strace $0x90000051  }
0x3c: {  	_ =	sfence  }
0x3d: {  	s30 =	sld [smem:$0x0];
	_ =	sdelay $0x2  }
0x3e: {  	s31 =	sshll.u32 s1, $0xD;
	s1 =	sshrl.u32 s1, $0x2  }
0x3f: {  	s4 =	sand.u32 $0x4000, s31;
	s1 =	sadd.s32 s1, s30  }
0x40: {  	s0 =	sor.u32 s4, s0;
	s1 =	sshll.u32 s1, $0x11  }
0x41: {  	s0 =	sor.u32 s1, s0  }
0x42: {  	s0 =	sadd.s32 $0x8F2B, s0  }
0x43: {  	[sflag:s0] =	ssyncadd.remote.s32 $0x1  }
0x44: {  	_ =	sfence.sel $0xFFFF  }
0x45: {  	[dreg:$0x0] =	wrdreg $0xFFFFFFFF;
	(pc) =	sbr.abs _section_cstart, $3  }
0x46: {  	[dreg:$0x1] =	wrdreg $0xFFFFFFFF  }
0x47: {  	_ =	task.clear_ibuf [dreg:s23], $0x2FFFF;
	_ =	strace $0x9FFFFFFF  }
0x48: {  	(tm) =	ssettm $0x7FFFFFFF  }
0x49: {  	_ =	shalt  }
tec
execute0_lowered:
.L_overlay_start_1:
0x0: {  	(tag) =	ssettag $0x1  }
0x1: {  	s3 =	rddreg [dreg:$0x0];
	s1 =	stileid.u32  }
0x2: {  	s2 =	srdreg.scid;
	s0 =	rddreg [dreg:$0x1];
	_ =	strace $0x80000050  }
0x3: {  	s6 =	simm.s32 $0x1;
	s8 =	simm.s32 $0x2;
	s18 =	simm.s32 $0x0  }
0x4: {  	p0 =	por $0x0, $0x0;
	s9 =	simm.s32 $0x400;
	s19 =	simm.s32 $0x0  }
0x5: {  	s17 =	simm.s32 $0x0;
	s10 =	simm.s32 $0x0;
	s11 =	simm.s32 $0x0  }
0x6: {  	s12 =	simm.s32 $0x0;
	s4 =	sshll.u32 s1, $0x4;
	s5 =	sshll.u32 s2, $0x8  }
.Ltmp0:
0x7: {  	s15 =	simm.s32 $0x0;
	s4 =	sor.u32 s4, s5;
	(pc) =	sbr.rel .LBB1_1-.Ltmp0, $4  }
0x8: {  	s16 =	simm.s32 $0x0;
	s2 =	sadd.s32 $0x4A4600, s3;
	s4 =	sand.u32 $0x180, s4  }
0x9: {  	s3 =	sadd.s32 $0x277E00, s3;
	[sflag:s6] =	ssyncpa.u1 $0x0;
	s7 =	ssub.s32 $0x2700, s4  }
0xa: {  	s5 =	sand.u32 $0x7, s1;
	[sflag:s8] =	ssyncpa.u1 $0x0;
	s7 =	sshrl.u32 s7, $0x9  }
0xb: {  	s14 =	smov.u32 s5;
	s13 =	smov.u32 s4;
	s8 =	sadd.s32 $0x2, s7  }
.LBB1_5:
0xc: {  	p1 =	slt.u32 s16, $0x2;
	s20 =	smov.u32 s19;
	s22 =	smov.u32 s18  }
0xd: {  	p2 =	sgt.s32 @!p1 s18, $0x2690;
	p3 =	sgt.s32 @!p1 s19, $0x7;
	s21 =	sshra.s32 @!p1 s19, $0x1F  }
0xe: {  	p3 =	por !p3, p1;
	s19 =	sand.u32 @!p1 s21, s19;
	s21 =	sshra.s32 @!p1 s18, $0x1F  }
0xf: {  	p2 =	por !p2, p1;
	s20 =	simm.s32 @p3 $0x7;
	s18 =	sand.u32 @!p1 s21, s18  }
0x10: {  	s22 =	simm.s32 @p2 $0x2690;
	s21 =	ssub.s32 @!p1 $0x0, s17;
	s19 =	ssub.s32 @!p1 s20, s19  }
0x11: {  	s18 =	ssub.s32 @!p1 s22, s18;
	s17 =	smin.u32 @!p1 s17, s21;
	s20 =	sadd.s32 @!p1 $0xFFFFFFF9, s19  }
0x12: {  	s21 =	smov.u32 s14;
	s19 =	ssub.s32 @!p1 $0x8, s19;
	p2 =	sgt.s32 @!p1 s20, $0x0  }
0x13: {  	p3 =	sgt.s32 @!p1 s17, $0x7F;
	s17 =	ssub.s32 @!p1 $0x80, s17;
	p2 =	por !p2, p1  }
0x14: {  	s20 =	sadd.s32 @!p1 $0xFFFFD970, s18;
	s19 =	simm.s32 @!p2 $0x0;
	p2 =	por !p3, p1  }
0x15: {  	s18 =	ssub.s32 @!p1 $0x2710, s18;
	p3 =	sgt.s32 @!p1 s20, $0x7F;
	s17 =	simm.s32 @!p2 $0x0  }
0x16: {  	s20 =	sadd.s32 $0x200, s13;
	p2 =	por !p3, p1;
	s17 =	smul.u32 @!p1 s17, s19  }
0x17: {  	s18 =	simm.s32 @!p2 $0x0;
	p2 =	sgt.s32 s20, $0x270F;
	s19 =	sadd.s32 $0x8, s14  }
0x18: {  	s22 =	smov.u32 s15;
	s21 =	smov.u32 @p2 s19  }
0x19: {  	s17 =	smul.u32 @!p1 s18, s17;
	p3 =	sgt.s32 s21, $0x7;
	s18 =	sadd.s32 $0x80, s15  }
0x1a: {  	p0 =	por !p0, !p0;
	s23 =	simm.s32 @!p1 $0x2;
	s22 =	smov.u32 @p3 s18  }
0x1b: {  	s20 =	smov.u32 @p2 s4;
	s19 =	smov.u32 s11;
	p2 =	sgt.s32 s22, $0x7F  }
0x1c: {  	s11 =	smov.u32 s14;
	s22 =	simm.s32 @p2 $0x0;
	p2 =	sne.s32 s16, s8  }
.Ltmp1:
0x1d: {  	s21 =	smov.u32 @p3 s5;
	s18 =	smov.u32 s10;
	(pc) =	sbr.rel @!p2 .LBB1_6-.Ltmp1, $4  }
0x1e: {  	s10 =	smov.u32 s13;
	s13 =	smov.u32 s20;
	s17 =	sand.u32 @!p1 $0x3FFFFFFF, s17  }
0x1f: {  	s14 =	smov.u32 s21;
	_ =	swait.ge @!p1 [sflag:s23], s17;
	s24 =	ssub.s32 @!p1 $0x0, s17  }
0x20: {  	s17 =	smov.u32 s12;
	s16 =	sadd.s32 $0x1, s16;
	[sflag:s23] =	ssyncset.done @!p1 $0x0  }
0x21: {  	s12 =	smov.u32 s15;
	s15 =	smov.u32 s22;
	[sflag:s23] =	ssyncadd.s32 @!p1 s24  }
.LBB1_1:
0x22: {  	p1 =	sgt.u32 s16, s7  }
0x23: {  	s20 =	sshrl.u32 @!p1 s14, $0x3  }
0x24: {  	s21 =	sshll.u32 @!p1 s13, $0x3;
	s20 =	smul.u32 @!p1 $0x13C00, s20  }
0x25: {  	s22 =	sshll.u32 @!p1 s14, $0x7;
	s21 =	sand.u32 @!p1 $0xFFFFFC00, s21  }
0x26: {  	s20 =	sadd.s32 @!p1 s20, s21;
	s21 =	sand.u32 @!p1 $0x380, s22  }
0x27: {  	s22 =	sand.u32 @!p1 $0x7F, s13;
	s20 =	sor.u32 @!p1 s21, s20  }
0x28: {  	s21 =	sor.u32 @!p1 s22, s20  }
0x29: {  	s22 =	smulhi.u32 @!p1 $0xCF6474A9, s21  }
0x2a: {  	s20 =	smulhi.u32 @!p1 $0xCF6474A9, s20  }
0x2b: {  	s22 =	sshrl.u32 @!p1 s22, $0xD  }
0x2c: {  	s20 =	sshrl.u32 @!p1 s20, $0xD;
	s22 =	smul.u32 @!p1 $0x2780, s22  }
0x2d: {  	s23 =	sxor.u32 @!p1 $0xFFFFFFFF, s16;
	s24 =	smul.u32 @!p1 $0x2780, s15;
	s20 =	sand.u32 @!p1 $0x7, s20  }
0x2e: {  	s23 =	sshll.u32 @!p1 s23, $0xE;
	s20 =	smul.u32 @!p1 $0x4F0, s20;
	s21 =	ssub.s32 @!p1 s21, s22  }
0x2f: {  	s22 =	sand.u32 @!p1 $0x4000, s23;
	s23 =	sadd.s32 @!p1 s2, s24;
	s24 =	sand.u32 @!p1 $0x7, s21  }
0x30: {  	s21 =	sshrl.u32 @!p1 s21, $0x3;
	s20 =	sadd.s32 @!p1 s20, s23;
	s23 =	sshll.u32 @!p1 s24, $0x12  }
0x31: {  	s20 =	sadd.s32 @!p1 s21, s20;
	s21 =	sor.u32 @!p1 $0x80, s23;
	s23 =	simm.s32 @!p1 $0x13C00  }
0x32: {  	[tilespmem:s22], [sflag:$0x1] =	stream.strided.gather @!p1 [hbm4b:s20+s21], $0x4000, s23, s21, $0x38;
	[tilespmem:$0x10100] =	vst v63  }
0x33: {  	p1 =	seq.s32 s16, $0x0  }
0x34: {  	p2 =	sge.u32 @!p1 s16, s8  }
0x35: {  	p1 =	por p1, p2  }
.Ltmp2:
0x36: {  	_ = 	snop;
	(pc) =	sbr.rel @p1 .LBB1_5-.Ltmp2, $1  }
0x37: {  	_ =	sdelay $0x3  }
0x38: {  	s20 =	simm.s32 $0x1  }
0x39: {  	_ =	swait.ge [sflag:s6], $0x4000;
	s20 =	simm.s32 @!p0 $0x0  }
0x3a: {  	[sflag:s6] =	ssyncset.done $0x0;
	s21 =	sshll.u32 s20, $0xE  }
0x3b: {  	[sflag:s6] =	ssyncadd.s32 $0xFFFFC000;
	s21 =	sor.u32 $0x40, s21  }
0x3c: {  	s20 =	smul.u32 $0x10200, s20;
	v0 =	vld [tilespmem:s21+$0x30]  }
0x3d: {  	v1 =	vld [tilespmem:s21+$0xFFFFFFD0]  }
0x3e: {  	s20 =	sshrl.u32 s20, $0x2;
	v5 =	vld [tilespmem:s21+$0xFFFFFFE0]  }
0x3f: {  	v6 =	vld [tilespmem:s21+$0xFFFFFFF0];
	s23 =	sor.u32 $0x8000, s20  }
0x40: {  	s31 =	sand.u32 $0x1, s16;
	v4 =	vld [tilespmem:s21+$0x0];
	s22 =	sadd.s32 $0x0, s23  }
0x41: {  	v3 =	vld [tilespmem:s21+$0x10];
	s20 =	smul.u32 $0x10200, s31;
	[tilespmem:s22+$0x3870 ss:$0x81] =	vst.msk $0xffff, v0  }
0x42: {  	v2 =	vld [tilespmem:s21+$0x20];
	[tilespmem:s22+$0x810 ss:$0x81] =	vst.msk $0xffff, v1  }
0x43: {  	s20 =	sshrl.u32 s20, $0x2;
	v1 =	vld [tilespmem:s21+$0xFFFFFFC0];
	[tilespmem:s22+$0x1020 ss:$0x81] =	vst.msk $0xffff, v5;
	s21 =	sadd.s32 $0x80, s21  }
0x44: {  	s24 =	simm.s32 $0x4;
	s25 =	simm.s32 $0x8;
	s20 =	sor.u32 $0x8000, s20;
	[tilespmem:s22+$0x1830 ss:$0x81] =	vst.msk $0xffff, v6;
	v0 =	vld [tilespmem:s21+$0x30]  }
.LBB1_3:
0x45: {  	p1 =	sne.s32 s25, $0x1FC;
	v5 =	vld [tilespmem:s21+$0xFFFFFFD0];
	[tilespmem:s22+$0x2040 ss:$0x81] =	vst.msk $0xffff, v4  }
0x46: {  	v6 =	vld [tilespmem:s21+$0xFFFFFFE0];
	[tilespmem:s22+$0x2850 ss:$0x81] =	vst.msk $0xffff, v3  }
0x47: {  	s26 =	sshra.s32 s24, $0x2;
	s24 =	smov.u32 s25;
	v7 =	vld [tilespmem:s21+$0xFFFFFFF0];
	[tilespmem:s22+$0x3060 ss:$0x81] =	vst.msk $0xffff, v2  }
.Ltmp3:
0x48: {  	v4 =	vld [tilespmem:s21+$0x0];
	[tilespmem:s22+$0x0 ss:$0x81] =	vst.msk $0xffff, v1;
	s22 =	sadd.s32 s26, s23;
	(pc) =	sbr.rel @p1 .LBB1_3-.Ltmp3, $4  }
0x49: {  	v3 =	vld [tilespmem:s21+$0x10];
	[tilespmem:s22+$0x3870 ss:$0x81] =	vst.msk $0xffff, v0  }
0x4a: {  	[tilespmem:s22+$0x810 ss:$0x81] =	vst.msk $0xffff, v5;
	v2 =	vld [tilespmem:s21+$0x20]  }
0x4b: {  	v1 =	vld [tilespmem:s21+$0xFFFFFFC0];
	[tilespmem:s22+$0x1020 ss:$0x81] =	vst.msk $0xffff, v6;
	s21 =	sadd.s32 $0x80, s21  }
0x4c: {  	s25 =	sadd.s32 $0x4, s25;
	v0 =	vld [tilespmem:s21+$0x30];
	[tilespmem:s22+$0x1830 ss:$0x81] =	vst.msk $0xffff, v7  }
0x4d: {  	s24 =	sshra.s32 s24, $0x2;
	p1 =	sgt.s32 s11, $0x7;
	s25 =	sshra.s32 s11, $0x1F  }
0x4e: {  	p2 =	sgt.s32 s10, $0x2690;
	s26 =	smov.u32 s10;
	s27 =	sshra.s32 s10, $0x1F  }
0x4f: {  	v5 =	vld [tilespmem:s21+$0xFFFFFFD0];
	[tilespmem:s22+$0x2040 ss:$0x81] =	vst.msk $0xffff, v4;
	s28 =	ssub.s32 $0x0, s12;
	s23 =	sadd.s32 s24, s23;
	s24 =	smov.u32 s11  }
0x50: {  	v58 =	vld [tilespmem:s21+$0xFFFFFFE0];
	s25 =	sand.u32 s25, s11;
	[tilespmem:s22+$0x2850 ss:$0x81] =	vst.msk $0xffff, v3;
	s26 =	simm.s32 @!p2 $0x2690;
	s31 =	sand.u32 s27, s10  }
0x51: {  	v59 =	vld [tilespmem:s21+$0xFFFFFFF0];
	s27 =	sshrl.u32 s12, $0x3;
	s24 =	simm.s32 @!p1 $0x7;
	[tilespmem:s22+$0x3060 ss:$0x81] =	vst.msk $0xffff, v2;
	s30 =	ssub.s32 s26, s31  }
0x52: {  	v60 =	vld [tilespmem:s21+$0x0];
	s31 =	smin.u32 s12, s28;
	s28 =	sshll.u32 s11, $0x4;
	s24 =	ssub.s32 s24, s25;
	[tilespmem:s22+$0x0 ss:$0x81] =	vst.msk $0xffff, v1  }
0x53: {  	v61 =	vld [tilespmem:s21+$0x10];
	p2 =	sgt.s32 s31, $0x7F;
	s25 =	ssub.s32 $0x80, s31;
	s29 =	sadd.s32 $0xFFFFFFF9, s24;
	[tilespmem:s23+$0x3870 ss:$0x81] =	vst.msk $0xffff, v0  }
0x54: {  	v62 =	vld [tilespmem:s21+$0x20];
	s26 =	sadd.s32 $0xFFFFD970, s30;
	s24 =	ssub.s32 $0x8, s24;
	p1 =	sgt.s32 s29, $0x0;
	[tilespmem:s23+$0x810 ss:$0x81] =	vst.msk $0xffff, v5  }
0x55: {  	v63 =	vld [tilespmem:s21+$0xFFFFFFC0];
	s21 =	ssub.s32 $0x2710, s30;
	s25 =	simm.s32 @p2 $0x0;
	[tilespmem:s23+$0x1020 ss:$0x81] =	vst.msk $0xffff, v58;
	s24 =	simm.s32 @p1 $0x0  }
0x56: {  	s22 =	sand.u32 $0x70, s28;
	[tilespmem:s23+$0x1830 ss:$0x81] =	vst.msk $0xffff, v59;
	p1 =	sgt.s32 s26, $0x7F;
	s26 =	smul.u32 s25, s24  }
.Ltmp4:
0x57: {  	[tilespmem:s23+$0x2040 ss:$0x81] =	vst.msk $0xffff, v60;
	s21 =	simm.s32 @p1 $0x0;
	s24 =	sand.u32 $0xF, s27;
	(pc) =	sbr.rel .LBB1_5-.Ltmp4, $4  }
0x58: {  	[tilespmem:s23+$0x2850 ss:$0x81] =	vst.msk $0xffff, v61;
	s29 =	sand.u32 $0x7, s12;
	s24 =	sadd.s32 s3, s24;
	s21 =	smul.u32 s21, s26  }
0x59: {  	s30 =	sshll.u32 s10, $0x7;
	[tilespmem:s23+$0x3060 ss:$0x81] =	vst.msk $0xffff, v62;
	s25 =	sshll.u32 s29, $0x12;
	s22 =	sadd.s32 s22, s24  }
0x5a: {  	[tilespmem:s23+$0x0 ss:$0x81] =	vst.msk $0xffff, v63;
	s31 =	sor.u32 $0x80, s25;
	s22 =	sadd.s32 s30, s22;
	s21 =	sand.u32 $0x3FFFFFFF, s21  }
0x5b: {  	[hbm4b:s22+s31] =	stream.strided.scatter [tilespmem:s20], [sflag:$0x2], s21, s9, s31, $0x20;
	[tilespmem:$0x10100] =	vst v63  }
.LBB1_6:
0x5c: {  	_ =	sfence.sel $0x180000  }
0x5d: {  	s2 =	simm.s32 $0x1;
	[bflag:$0x0] =	sbarrier.arrive $0xFFFF  }
0x5e: {  	s31 =	simm.s32 $0x2;
	[sflag:s2] =	ssyncpa.u1 $0x1  }
0x5f: {  	[sflag:s31] =	ssyncpa.u1 $0x1  }
0x60: {  	p0 =	sne.s32 s1, $0x0;
	_ =	strace $0x90000050  }
0x61: {  	s0 =	sadd.s32 @!p0 $0x100000, s0;
	[bflag:$0x2] =	sbarrier.arrive $0xFFFF  }
0x62: {  	[sflag:s0] =	ssyncadd.tile.s32 @!p0 $0x1;
	_ =	shalt  }
.Lfunc_end1:
_tile_overlayer_lowered:
.L_overlay_start_2:
0x63: {  	(tag) =	ssettag $0x2  }
0x64: {  	s0 =	rddreg [dreg:$0x0];
	s2 =	stileid.u32  }
0x65: {  	s1 =	rddreg [dreg:$0x1];
	p0 =	sne.s32 s2, $0x0  }
0x66: {  	s3 =	rddreg [dreg:$0x2];
	[bflag:$0x3] =	sbarrier.arrive $0xFFFF;
	s2 =	simm.s32 @!p0 $0x1C01  }
0x67: {  	[timem:s3], [sflag:s2] =	dma.local @!p0 [hbm:s0], s1  }
0x68: {  	s0 =	simm.s32 @!p0 $0x1  }
0x69: {  	_ =	swait.ge @!p0 [sflag:s0], s1  }
0x6a: {  	s1 =	ssub.s32 @!p0 $0x0, s1;
	[sflag:s0] =	ssyncset.done @!p0 $0x0  }
0x6b: {  	[sflag:s0] =	ssyncadd.s32 @!p0 s1  }
0x6c: {  	[bflag:$0x3] =	sbarrier.arrive $0xFFFF  }
0x6d: {  	_ =	shalt  }

// kernel: sparse-core-data-format-call.3.cloned.1.call-start
scs
called_computation.3_lowered:
.L_overlay_start_0:
0x0: {  	s2 =	sld [smem:$0x3FD9]  }
0x1: {  	s3 =	sld [smem:$0x3FFE];
	_ =	sdelay $0x1  }
0x2: {  	s1 =	srdreg.scid  }
0x3: {  	s0 =	sand.u32 $0x1, s1  }
0x4: {  	s18 =	sshll.u32 s0, $0xA;
	s2 =	sadd.s32 s3, s2  }
0x5: {  	s2 =	sadd.s32 s2, s18  }
0x6: {  	[smem:$0x3FBE] =	sst s2  }
0x7: {  	_ = 	snop  }
0x8: {  	(tm) =	ssettm $0x1  }
0x9: {  	s19 =	sld [smem:$0x3FFB];
	_ =	sdelay $0x3  }
0xa: {  	_ =	strace s19  }
0xb: {  	s2 =	sld [smem:$0x3FFC];
	_ =	sdelay $0x3  }
0xc: {  	_ =	strace s2  }
0xd: {  	s2 =	sld [smem:$0x3FFD];
	_ =	sdelay $0x3  }
0xe: {  	_ =	strace s2  }
0xf: {  	_ =	strace $0x8FFFFFFF  }
0x10: {  	s20 =	sld [smem:$0x3FDB];
	_ =	sdelay $0x1  }
0x11: {  	s21 =	simm.s32 $_scs_section_size  }
0x12: {  	s4 =	simm.s32 $_size__tile_overlayer_lowered;
	s5 =	simm.s32 $_tile_overlayer_lowered  }
0x13: {  	s6 =	simm.s32 $0x1BFF;
	s22 =	sshll.u32 s5, $0x1;
	s3 =	sadd.s32 s21, s20  }
0x14: {  	s23 =	simm.s32 $0x0;
	s4 =	sshll.u32 s4, $0x1;
	s5 =	sadd.s32 s22, s3  }
0x15: {  	[timem:s23], [sflag:s6] =	dma.local [hbm:s5], s4  }
0x16: {  	_ =	swait.ge [sflag:s6], s4  }
0x17: {  	s4 =	ssub.s32 $0x0, s4;
	[sflag:s6] =	ssyncset.done $0x0  }
0x18: {  	[sflag:s6] =	ssyncadd.s32 s4;
	_ =	sdelay $0x1  }
0x19: {  	s24 =	simm.s32 $0x1B8B  }
0x1a: {  	_ =	swait.ge [sflag:s24], $0x1  }
0x1b: {  	[sflag:s24] =	ssyncset.done $0x0  }
0x1c: {  	[sflag:s24] =	ssyncadd.s32 $0xFFFFFFFF  }
0x1d: {  	s4 =	sld [smem:$0x0]  }
0x1e: {  	s5 =	sand.u32 $0xFFFFFFFE, s1  }
0x1f: {  	p0 =	sne.s32 s1, s5  }
0x20: {  	s5 =	sshll.u32 @p0 s5, $0xE  }
0x21: {  	s5 =	sadd.s32 @p0 $0x11B8D, s5;
	s6 =	sshll.u32 @p0 s4, $0x11  }
0x22: {  	s5 =	sor.u32 @p0 s6, s5  }
0x23: {  	[sflag:s5] =	ssyncadd.remote.s32 @p0 $0x1;
	_ =	sdelay $0x1  }
0x24: {  	s5 =	simm.s32 @p0 $0x1B8D  }
0x25: {  	_ =	swait.eq @p0 [sflag:s5], $0x1  }
0x26: {  	[sflag:s5] =	ssyncadd.s32 @p0 $0xFFFFFFFF  }
0x27: {  	s6 =	sshll.u32 @!p0 s1, $0xE  }
0x28: {  	s6 =	sor.u32 @!p0 $0x4000, s6;
	s5 =	simm.s32 @!p0 $0x1B8D  }
0x29: {  	s4 =	sshll.u32 @!p0 s4, $0x11;
	s6 =	sadd.s32 @!p0 $0x11B8D, s6;
	_ =	swait.eq @!p0 [sflag:s5], $0x1  }
0x2a: {  	s4 =	sor.u32 @!p0 s4, s6;
	[sflag:s5] =	ssyncadd.s32 @!p0 $0xFFFFFFFF  }
0x2b: {  	s26 =	simm.s32 $0x1B8E;
	s25 =	sld [smem:$0x3FFE];
	[sflag:s4] =	ssyncadd.remote.s32 @!p0 $0x1  }
0x2c: {  	s27 =	simm.s32 $execute0_lowered;
	[smem:$0x3FD2] =	sst s26  }
0x2d: {  	s5 =	sshll.u32 s27, $0x1;
	_ =	strace $0x80000049;
	[dreg:$0x1] =	wrdreg $0xFFFFFFFF  }
0x2e: {  	s28 =	simm.s32 $_size_execute0_lowered;
	s3 =	sadd.s32 s3, s5;
	[dreg:$0x0] =	wrdreg $0x0  }
0x2f: {  	s5 =	sshll.u32 s28, $0x1;
	[dreg:$0x2] =	wrdreg s3  }
0x30: {  	[dreg:$0x3] =	wrdreg s5  }
0x31: {  	[dreg:$0x4] =	wrdreg $0xC0  }
0x32: {  	_ =	task [dreg:s23], $0x5FFFF  }
0x33: {  	[dreg:$0x1] =	wrdreg $0xFFFFFFFF  }
0x34: {  	[dreg:$0x0] =	wrdreg $0x60  }
0x35: {  	[dreg:$0x2] =	wrdreg s25  }
0x36: {  	[dreg:$0x3] =	wrdreg $0xA  }
0x37: {  	_ =	task.clear_ibuf [dreg:s23], $0x4FFFF;
	_ =	strace $0x90000049  }
0x38: {  	s29 =	simm.s32 $0xA;
	_ =	strace $0x8000004B  }
0x39: {  	_ =	swait.ge [sflag:s29], $0x1  }
0x3a: {  	[sflag:s29] =	ssyncadd.s32 $0xFFFFFFFF  }
0x3b: {  	_ =	strace $0x9000004B  }
0x3c: {  	_ =	sfence  }
0x3d: {  	s30 =	sld [smem:$0x0];
	_ =	sdelay $0x2  }
0x3e: {  	s31 =	sshll.u32 s1, $0xD;
	s1 =	sshrl.u32 s1, $0x2  }
0x3f: {  	s4 =	sand.u32 $0x4000, s31;
	s1 =	sadd.s32 s1, s30  }
0x40: {  	s0 =	sor.u32 s4, s0;
	s1 =	sshll.u32 s1, $0x11  }
0x41: {  	s0 =	sor.u32 s1, s0  }
0x42: {  	s0 =	sadd.s32 $0x8F2B, s0  }
0x43: {  	[sflag:s0] =	ssyncadd.remote.s32 $0x1  }
0x44: {  	_ =	sfence.sel $0xFFFF  }
0x45: {  	[dreg:$0x0] =	wrdreg $0xFFFFFFFF;
	(pc) =	sbr.abs _section_cstart, $3  }
0x46: {  	[dreg:$0x1] =	wrdreg $0xFFFFFFFF  }
0x47: {  	_ =	task.clear_ibuf [dreg:s23], $0x2FFFF;
	_ =	strace $0x9FFFFFFF  }
0x48: {  	(tm) =	ssettm $0x7FFFFFFF  }
0x49: {  	_ =	shalt  }
tec
execute0_lowered:
.L_overlay_start_1:
0x0: {  	(tag) =	ssettag $0x1  }
0x1: {  	s0 =	rddreg [dreg:$0x0];
	s1 =	stileid.u32  }
0x2: {  	s2 =	srdreg.scid;
	_ =	strace $0x8000004A;
	s5 =	simm.s32 $0x1  }
0x3: {  	s31 =	simm.s32 $0x2;
	s19 =	simm.s32 $0x0;
	s9 =	simm.s32 $0x13C00  }
0x4: {  	s10 =	simm.s32 $0x0;
	s17 =	simm.s32 $0x0;
	s18 =	simm.s32 $0x0  }
0x5: {  	s20 =	simm.s32 $0x0;
	s21 =	simm.s32 $0x0;
	s11 =	simm.s32 $0x0  }
0x6: {  	s13 =	simm.s32 $0x0;
	s3 =	sshll.u32 s1, $0x4;
	s4 =	sshll.u32 s2, $0x8  }
.Ltmp0:
0x7: {  	s14 =	simm.s32 $0x0;
	s4 =	sor.u32 s3, s4;
	(pc) =	sbr.rel .LBB1_1-.Ltmp0, $4  }
0x8: {  	s16 =	simm.s32 $0x0;
	s2 =	sadd.s32 $0x368600, s0;
	s4 =	sand.u32 $0x180, s4  }
0x9: {  	[sflag:s5] =	ssyncpa.u1 $0x0;
	s6 =	sand.u32 $0x7, s1;
	s7 =	ssub.s32 $0x2700, s4  }
0xa: {  	s3 =	sadd.s32 $0x4A4600, s0;
	[sflag:s31] =	ssyncpa.u1 $0x0;
	s7 =	sshrl.u32 s7, $0x9  }
0xb: {  	s15 =	smov.u32 s6;
	s12 =	smov.u32 s4;
	s8 =	sadd.s32 $0x2, s7  }
.LBB1_9:
0xc: {  	s0 =	sadd.s32 $0x200, s12  }
0xd: {  	s17 =	sadd.s32 $0x8, s11;
	s22 =	smov.u32 s11;
	p1 =	sgt.s32 s0, $0x270F  }
0xe: {  	s22 =	smov.u32 @p1 s17  }
0xf: {  	s23 =	smov.u32 s13;
	s17 =	sadd.s32 $0x4, s13;
	p2 =	sgt.s32 s22, $0x7  }
0x10: {  	s23 =	smov.u32 @p2 s17  }
0x11: {  	s24 =	smov.u32 s14;
	s17 =	sadd.s32 $0x4, s14;
	p3 =	sgt.s32 s23, $0x3  }
0x12: {  	p0 =	slt.u32 s16, $0x2;
	s25 =	smov.u32 s15;
	s24 =	smov.u32 @p3 s17  }
0x13: {  	s19 =	smov.u32 s12;
	s17 =	sadd.s32 $0x8, s15;
	p4 =	sgt.s32 s24, $0x3  }
0x14: {  	s18 =	smov.u32 s13;
	s20 =	smov.u32 s14;
	s25 =	smov.u32 @p4 s17  }
0x15: {  	s21 =	smov.u32 s15;
	s0 =	smov.u32 @p1 s4;
	p1 =	sgt.s32 s25, $0x7  }
0x16: {  	s26 =	simm.s32 @!p0 $0x2;
	s25 =	smov.u32 @p1 s6;
	p1 =	sne.s32 s16, s8  }
.Ltmp1:
0x17: {  	s10 =	sadd.s32 $0x4000, s10;
	_ =	swait.ge @!p0 [sflag:s26], $0x4000;
	(pc) =	sbr.rel @!p1 .LBB1_10-.Ltmp1, $4  }
0x18: {  	[sflag:s26] =	ssyncset.done @!p0 $0x0;
	s12 =	smov.u32 s0;
	s23 =	simm.s32 @p3 $0x0  }
0x19: {  	s22 =	simm.s32 @p2 $0x0;
	[sflag:s26] =	ssyncadd.s32 @!p0 $0xFFFFC000;
	s13 =	smov.u32 s23  }
0x1a: {  	s24 =	simm.s32 @p4 $0x0;
	s17 =	smov.u32 s11;
	s11 =	smov.u32 s22  }
0x1b: {  	s14 =	smov.u32 s24;
	s16 =	sadd.s32 $0x1, s16;
	s15 =	smov.u32 s25  }
.LBB1_1:
0x1c: {  	p0 =	sgt.u32 s16, s7  }
0x1d: {  	s0 =	sshrl.u32 @!p0 s11, $0x3  }
0x1e: {  	s22 =	sshll.u32 @!p0 s12, $0x3;
	s0 =	smul.u32 @!p0 $0x13C00, s0  }
0x1f: {  	s23 =	sshll.u32 @!p0 s11, $0x7;
	s22 =	sand.u32 @!p0 $0xFFFFFC00, s22  }
0x20: {  	s0 =	sadd.s32 @!p0 s0, s22;
	s22 =	sand.u32 @!p0 $0x380, s23  }
0x21: {  	s25 =	smul.u32 @!p0 $0x27800, s15;
	s23 =	sand.u32 @!p0 $0x7F, s12;
	s0 =	sor.u32 @!p0 s22, s0  }
0x22: {  	s26 =	smul.u32 @!p0 $0x9E00, s14;
	s22 =	sor.u32 @!p0 s23, s0  }
0x23: {  	s23 =	smulhi.u32 @!p0 $0xCF6474A9, s22  }
0x24: {  	s0 =	smulhi.u32 @!p0 $0xCF6474A9, s0  }
0x25: {  	s27 =	smul.u32 @!p0 $0x2780, s13;
	s23 =	sshrl.u32 @!p0 s23, $0xD  }
0x26: {  	s24 =	sxor.u32 @!p0 $0xFFFFFFFF, s16;
	s0 =	sshrl.u32 @!p0 s0, $0xD;
	s23 =	smul.u32 @!p0 $0x2780, s23  }
0x27: {  	s24 =	sshll.u32 @!p0 s24, $0xE;
	s25 =	sadd.s32 @!p0 s2, s25;
	s0 =	sand.u32 @!p0 $0x7, s0  }
0x28: {  	s0 =	smul.u32 @!p0 $0x4F0, s0;
	s22 =	ssub.s32 @!p0 s22, s23;
	s23 =	sadd.s32 @!p0 s26, s25  }
0x29: {  	s24 =	sand.u32 @!p0 $0x4000, s24;
	s23 =	sadd.s32 @!p0 s27, s23;
	s25 =	sand.u32 @!p0 $0x7, s22  }
0x2a: {  	s22 =	sshrl.u32 @!p0 s22, $0x3;
	s0 =	sadd.s32 @!p0 s0, s23;
	s23 =	sshll.u32 @!p0 s25, $0x12  }
0x2b: {  	s0 =	sadd.s32 @!p0 s22, s0;
	s22 =	sor.u32 @!p0 $0x400, s23;
	s23 =	simm.s32 @!p0 $0x13C00  }
0x2c: {  	[tilespmem:s24], [sflag:$0x1] =	stream.strided.gather @!p0 [hbm4b:s0+s22], $0x4000, s23, s22, $0x38;
	[tilespmem:$0x10000] =	vst v63  }
0x2d: {  	p0 =	seq.s32 s16, $0x0  }
0x2e: {  	p1 =	sge.u32 @!p0 s16, s8  }
0x2f: {  	p0 =	por p0, p1  }
.Ltmp2:
0x30: {  	_ = 	snop;
	(pc) =	sbr.rel @p0 .LBB1_9-.Ltmp2, $1  }
0x31: {  	_ =	sdelay $0x3  }
0x32: {  	s0 =	sand.u32 $0x4000, s10  }
0x33: {  	_ =	swait.ge [sflag:s5], $0x4000;
	s22 =	sshll.u32 s16, $0xE;
	s25 =	simm.s32 $0x0  }
0x34: {  	s23 =	sor.u32 $0x40, s0;
	[sflag:s5] =	ssyncset.done $0x0;
	s31 =	sand.u32 $0x4000, s22  }
0x35: {  	s24 =	sor.u32 $0x8040, s0;
	[sflag:s5] =	ssyncadd.s32 $0xFFFFC000;
	s22 =	sor.u32 $0x8000, s31  }
.LBB1_3:
0x36: {  	s26 =	smov.u32 s24;
	s27 =	smov.u32 s23;
	s28 =	simm.s32 $0x0  }
.LBB1_4:
0x37: {  	v0 =	vmov s26;
	v2 =	vld [tilespmem:s27+$0x30]  }
0x38: {  	v4 =	vld [tilespmem:s27+$0xFFFFFFD0]  }
0x39: {  	v6 =	vld [tilespmem:s27+$0xFFFFFFE0]  }
0x3a: {  	v7 =	vld [tilespmem:s27+$0xFFFFFFF0]  }
0x3b: {  	s29 =	simm.s32 $0x0;
	v1 =	vld [tilespmem:s27+$0x0]  }
0x3c: {  	v3 =	vld [tilespmem:s27+$0x10];
	[tilespmem:v0+s29+$0x30 ss:$0x1] =	vst.idx.msk $0xffff, v2  }
0x3d: {  	v5 =	vld [tilespmem:s27+$0x20];
	[tilespmem:v0+s29+$0xFFFFFFD0 ss:$0x1] =	vst.idx.msk $0xffff, v4  }
0x3e: {  	s30 =	sadd.s32 $0x80, s27;
	v2 =	vld [tilespmem:s27+$0xFFFFFFC0];
	[tilespmem:v0+s29+$0xFFFFFFE0 ss:$0x1] =	vst.idx.msk $0xffff, v6  }
0x3f: {  	s31 =	simm.s32 $0x800;
	s0 =	simm.s32 $0x1000;
	v4 =	vld [tilespmem:s30+$0x30];
	[tilespmem:v0+s29+$0xFFFFFFF0 ss:$0x1] =	vst.idx.msk $0xffff, v7  }
.LBB1_5:
0x40: {  	p0 =	sne.s32 s0, $0x3800;
	v6 =	vld [tilespmem:s30+$0xFFFFFFD0];
	[tilespmem:v0+s29+$0x0 ss:$0x1] =	vst.idx.msk $0xffff, v1  }
0x41: {  	v7 =	vld [tilespmem:s30+$0xFFFFFFE0];
	[tilespmem:v0+s29+$0x10 ss:$0x1] =	vst.idx.msk $0xffff, v3  }
0x42: {  	v8 =	vld [tilespmem:s30+$0xFFFFFFF0];
	[tilespmem:v0+s29+$0x20 ss:$0x1] =	vst.idx.msk $0xffff, v5  }
.Ltmp3:
0x43: {  	v1 =	vld [tilespmem:s30+$0x0];
	[tilespmem:v0+s29+$0xFFFFFFC0 ss:$0x1] =	vst.idx.msk $0xffff, v2;
	s29 =	sshra.s32 s31, $0x2;
	s31 =	smov.u32 s0;
	(pc) =	sbr.rel @p0 .LBB1_5-.Ltmp3, $4  }
0x44: {  	v3 =	vld [tilespmem:s30+$0x10];
	[tilespmem:v0+s29+$0x30 ss:$0x1] =	vst.idx.msk $0xffff, v4  }
0x45: {  	[tilespmem:v0+s29+$0xFFFFFFD0 ss:$0x1] =	vst.idx.msk $0xffff, v6;
	v5 =	vld [tilespmem:s30+$0x20]  }
0x46: {  	v2 =	vld [tilespmem:s30+$0xFFFFFFC0];
	[tilespmem:v0+s29+$0xFFFFFFE0 ss:$0x1] =	vst.idx.msk $0xffff, v7;
	s30 =	sadd.s32 $0x80, s30  }
0x47: {  	s0 =	sadd.s32 $0x800, s0;
	v4 =	vld [tilespmem:s30+$0x30];
	[tilespmem:v0+s29+$0xFFFFFFF0 ss:$0x1] =	vst.idx.msk $0xffff, v8  }
0x48: {  	_ =	sdelay $0x3  }
0x49: {  	v6 =	vld [tilespmem:s30+$0xFFFFFFD0];
	[tilespmem:v0+s29+$0x0 ss:$0x1] =	vst.idx.msk $0xffff, v1  }
0x4a: {  	v58 =	vld [tilespmem:s30+$0xFFFFFFE0];
	[tilespmem:v0+s29+$0x10 ss:$0x1] =	vst.idx.msk $0xffff, v3  }
0x4b: {  	v59 =	vld [tilespmem:s30+$0xFFFFFFF0];
	[tilespmem:v0+s29+$0x20 ss:$0x1] =	vst.idx.msk $0xffff, v5  }
0x4c: {  	s0 =	sshra.s32 s31, $0x2;
	v60 =	vld [tilespmem:s30+$0x0];
	[tilespmem:v0+s29+$0xFFFFFFC0 ss:$0x1] =	vst.idx.msk $0xffff, v2  }
0x4d: {  	v61 =	vld [tilespmem:s30+$0x10];
	[tilespmem:v0+s0+$0x30 ss:$0x1] =	vst.idx.msk $0xffff, v4  }
0x4e: {  	v62 =	vld [tilespmem:s30+$0x20];
	s28 =	sadd.s32 $0x1, s28;
	[tilespmem:v0+s0+$0xFFFFFFD0 ss:$0x1] =	vst.idx.msk $0xffff, v6  }
0x4f: {  	v63 =	vld [tilespmem:s30+$0xFFFFFFC0];
	p0 =	sne.s32 s28, $0x4;
	[tilespmem:v0+s0+$0xFFFFFFE0 ss:$0x1] =	vst.idx.msk $0xffff, v58  }
.Ltmp4:
0x50: {  	[tilespmem:v0+s0+$0xFFFFFFF0 ss:$0x1] =	vst.idx.msk $0xffff, v59;
	(pc) =	sbr.rel @p0 .LBB1_4-.Ltmp4, $4  }
0x51: {  	[tilespmem:v0+s0+$0x0 ss:$0x1] =	vst.idx.msk $0xffff, v60  }
0x52: {  	[tilespmem:v0+s0+$0x10 ss:$0x1] =	vst.idx.msk $0xffff, v61  }
0x53: {  	[tilespmem:v0+s0+$0x20 ss:$0x1] =	vst.idx.msk $0xffff, v62  }
0x54: {  	s27 =	sadd.s32 $0x400, s27;
	s26 =	sadd.s32 $0x80, s26;
	[tilespmem:v0+s0+$0xFFFFFFC0 ss:$0x1] =	vst.idx.msk $0xffff, v63  }
0x55: {  	s25 =	sadd.s32 $0x1, s25  }
0x56: {  	p0 =	sne.s32 s25, $0x4  }
.Ltmp5:
0x57: {  	_ = 	snop;
	(pc) =	sbr.rel @p0 .LBB1_3-.Ltmp5, $2  }
0x58: {  	_ =	sdelay $0x2  }
0x59: {  	s23 =	sadd.s32 $0x1000, s23;
	s24 =	sadd.s32 $0x1000, s24  }
0x5a: {  	s0 =	sshrl.u32 s21, $0x3  }
0x5b: {  	s23 =	sshll.u32 s19, $0x3;
	s0 =	smul.u32 $0x13C00, s0  }
0x5c: {  	s27 =	sshll.u32 s21, $0x7;
	s23 =	sand.u32 $0xFFFFFC00, s23  }
0x5d: {  	s21 =	sand.u32 $0x380, s27;
	s0 =	sadd.s32 s0, s23  }
0x5e: {  	s28 =	sand.u32 $0x7F, s19;
	s20 =	smul.u32 $0x4F000, s20;
	s0 =	sor.u32 s21, s0  }
0x5f: {  	s19 =	sor.u32 s28, s0;
	s0 =	smulhi.u32 $0xCF6474A9, s0  }
0x60: {  	s29 =	smulhi.u32 $0xCF6474A9, s19  }
0x61: {  	s18 =	smul.u32 $0x2780, s18  }
0x62: {  	s17 =	smul.u32 $0x9E00, s17;
	s0 =	sshrl.u32 s0, $0xD;
	s21 =	sshrl.u32 s29, $0xD  }
0x63: {  	s0 =	sand.u32 $0x7, s0;
	s21 =	smul.u32 $0x2780, s21  }
0x64: {  	s20 =	sadd.s32 s3, s20;
	s0 =	smul.u32 $0x4F0, s0  }
.Ltmp6:
0x65: {  	s18 =	sadd.s32 s18, s20;
	s19 =	ssub.s32 s19, s21;
	(pc) =	sbr.rel .LBB1_9-.Ltmp6, $4  }
0x66: {  	s17 =	sadd.s32 s17, s18;
	s30 =	sand.u32 $0x7, s19  }
0x67: {  	s0 =	sadd.s32 s0, s17;
	s19 =	sshrl.u32 s19, $0x3;
	s31 =	sshll.u32 s30, $0x12  }
0x68: {  	s0 =	sadd.s32 s19, s0;
	s17 =	sor.u32 $0x80, s31  }
0x69: {  	[hbm4b:s0+s17] =	stream.strided.scatter [tilespmem:s22], [sflag:$0x2], $0x4000, s9, s17, $0x38;
	[tilespmem:$0x10000] =	vst v63  }
.LBB1_10:
0x6a: {  	_ =	sfence.sel $0x180000  }
0x6b: {  	s0 =	simm.s32 $0x1;
	[bflag:$0x0] =	sbarrier.arrive $0xFFFF  }
0x6c: {  	s31 =	simm.s32 $0x2;
	[sflag:s0] =	ssyncpa.u1 $0x1  }
0x6d: {  	[sflag:s31] =	ssyncpa.u1 $0x1  }
0x6e: {  	_ =	strace $0x9000004A  }
0x6f: {  	[bflag:$0x2] =	sbarrier.arrive $0xFFFF  }
0x70: {  	p0 =	sne.s32 s1, $0x0;
	s0 =	rddreg [dreg:$0x1]  }
0x71: {  	s0 =	sadd.s32 @!p0 $0x100000, s0  }
0x72: {  	[sflag:s0] =	ssyncadd.tile.s32 @!p0 $0x1;
	_ =	shalt  }
.Lfunc_end1:
_tile_overlayer_lowered:
.L_overlay_start_2:
0x73: {  	(tag) =	ssettag $0x2  }
0x74: {  	s0 =	rddreg [dreg:$0x0];
	s2 =	stileid.u32  }
0x75: {  	s1 =	rddreg [dreg:$0x1];
	p0 =	sne.s32 s2, $0x0  }
0x76: {  	s3 =	rddreg [dreg:$0x2];
	[bflag:$0x3] =	sbarrier.arrive $0xFFFF;
	s2 =	simm.s32 @!p0 $0x1C01  }
0x77: {  	[timem:s3], [sflag:s2] =	dma.local @!p0 [hbm:s0], s1  }
0x78: {  	s0 =	simm.s32 @!p0 $0x1  }
0x79: {  	_ =	swait.ge @!p0 [sflag:s0], s1  }
0x7a: {  	s1 =	ssub.s32 @!p0 $0x0, s1;
	[sflag:s0] =	ssyncset.done @!p0 $0x0  }
0x7b: {  	[sflag:s0] =	ssyncadd.s32 @!p0 s1  }
0x7c: {  	[bflag:$0x3] =	sbarrier.arrive $0xFFFF  }
0x7d: {  	_ =	shalt  }

// kernel: sparse-core-data-format-call.cloned.1.call-start
scs
called_computation_lowered:
.L_overlay_start_0:
0x0: {  	s2 =	sld [smem:$0x3FD9]  }
0x1: {  	s3 =	sld [smem:$0x3FFE];
	_ =	sdelay $0x1  }
0x2: {  	s1 =	srdreg.scid  }
0x3: {  	s0 =	sand.u32 $0x1, s1  }
0x4: {  	s18 =	sshll.u32 s0, $0xA;
	s2 =	sadd.s32 s3, s2  }
0x5: {  	s2 =	sadd.s32 s2, s18  }
0x6: {  	[smem:$0x3FBE] =	sst s2  }
0x7: {  	_ = 	snop  }
0x8: {  	(tm) =	ssettm $0x1  }
0x9: {  	s19 =	sld [smem:$0x3FFB];
	_ =	sdelay $0x3  }
0xa: {  	_ =	strace s19  }
0xb: {  	s2 =	sld [smem:$0x3FFC];
	_ =	sdelay $0x3  }
0xc: {  	_ =	strace s2  }
0xd: {  	s2 =	sld [smem:$0x3FFD];
	_ =	sdelay $0x3  }
0xe: {  	_ =	strace s2  }
0xf: {  	_ =	strace $0x8FFFFFFF  }
0x10: {  	s20 =	sld [smem:$0x3FDB];
	_ =	sdelay $0x1  }
0x11: {  	s21 =	simm.s32 $_scs_section_size  }
0x12: {  	s4 =	simm.s32 $_size__tile_overlayer_lowered;
	s5 =	simm.s32 $_tile_overlayer_lowered  }
0x13: {  	s6 =	simm.s32 $0x1BFF;
	s22 =	sshll.u32 s5, $0x1;
	s3 =	sadd.s32 s21, s20  }
0x14: {  	s23 =	simm.s32 $0x0;
	s4 =	sshll.u32 s4, $0x1;
	s5 =	sadd.s32 s22, s3  }
0x15: {  	[timem:s23], [sflag:s6] =	dma.local [hbm:s5], s4  }
0x16: {  	_ =	swait.ge [sflag:s6], s4  }
0x17: {  	s4 =	ssub.s32 $0x0, s4;
	[sflag:s6] =	ssyncset.done $0x0  }
0x18: {  	[sflag:s6] =	ssyncadd.s32 s4;
	_ =	sdelay $0x1  }
0x19: {  	s24 =	simm.s32 $0x1B8B  }
0x1a: {  	_ =	swait.ge [sflag:s24], $0x1  }
0x1b: {  	[sflag:s24] =	ssyncset.done $0x0  }
0x1c: {  	[sflag:s24] =	ssyncadd.s32 $0xFFFFFFFF  }
0x1d: {  	s4 =	sld [smem:$0x0]  }
0x1e: {  	s5 =	sand.u32 $0xFFFFFFFE, s1  }
0x1f: {  	p0 =	sne.s32 s1, s5  }
0x20: {  	s5 =	sshll.u32 @p0 s5, $0xE  }
0x21: {  	s5 =	sadd.s32 @p0 $0x11B8D, s5;
	s6 =	sshll.u32 @p0 s4, $0x11  }
0x22: {  	s5 =	sor.u32 @p0 s6, s5  }
0x23: {  	[sflag:s5] =	ssyncadd.remote.s32 @p0 $0x1;
	_ =	sdelay $0x1  }
0x24: {  	s5 =	simm.s32 @p0 $0x1B8D  }
0x25: {  	_ =	swait.eq @p0 [sflag:s5], $0x1  }
0x26: {  	[sflag:s5] =	ssyncadd.s32 @p0 $0xFFFFFFFF  }
0x27: {  	s6 =	sshll.u32 @!p0 s1, $0xE  }
0x28: {  	s6 =	sor.u32 @!p0 $0x4000, s6;
	s5 =	simm.s32 @!p0 $0x1B8D  }
0x29: {  	s4 =	sshll.u32 @!p0 s4, $0x11;
	s6 =	sadd.s32 @!p0 $0x11B8D, s6;
	_ =	swait.eq @!p0 [sflag:s5], $0x1  }
0x2a: {  	s4 =	sor.u32 @!p0 s4, s6;
	[sflag:s5] =	ssyncadd.s32 @!p0 $0xFFFFFFFF  }
0x2b: {  	s26 =	simm.s32 $0x1B8E;
	s25 =	sld [smem:$0x3FFE];
	[sflag:s4] =	ssyncadd.remote.s32 @!p0 $0x1  }
0x2c: {  	s27 =	simm.s32 $execute0_lowered;
	[smem:$0x3FD2] =	sst s26  }
0x2d: {  	s5 =	sshll.u32 s27, $0x1;
	_ =	strace $0x8000004C;
	[dreg:$0x1] =	wrdreg $0xFFFFFFFF  }
0x2e: {  	s28 =	simm.s32 $_size_execute0_lowered;
	s3 =	sadd.s32 s3, s5;
	[dreg:$0x0] =	wrdreg $0x0  }
0x2f: {  	s5 =	sshll.u32 s28, $0x1;
	[dreg:$0x2] =	wrdreg s3  }
0x30: {  	[dreg:$0x3] =	wrdreg s5  }
0x31: {  	[dreg:$0x4] =	wrdreg $0xC0  }
0x32: {  	_ =	task [dreg:s23], $0x5FFFF  }
0x33: {  	[dreg:$0x1] =	wrdreg $0xFFFFFFFF  }
0x34: {  	[dreg:$0x0] =	wrdreg $0x60  }
0x35: {  	[dreg:$0x2] =	wrdreg s25  }
0x36: {  	[dreg:$0x3] =	wrdreg $0x9  }
0x37: {  	_ =	task.clear_ibuf [dreg:s23], $0x4FFFF;
	_ =	strace $0x9000004C  }
0x38: {  	s29 =	simm.s32 $0x9;
	_ =	strace $0x8000004E  }
0x39: {  	_ =	swait.ge [sflag:s29], $0x1  }
0x3a: {  	[sflag:s29] =	ssyncadd.s32 $0xFFFFFFFF  }
0x3b: {  	_ =	strace $0x9000004E  }
0x3c: {  	_ =	sfence  }
0x3d: {  	s30 =	sld [smem:$0x0];
	_ =	sdelay $0x2  }
0x3e: {  	s31 =	sshll.u32 s1, $0xD;
	s1 =	sshrl.u32 s1, $0x2  }
0x3f: {  	s4 =	sand.u32 $0x4000, s31;
	s1 =	sadd.s32 s1, s30  }
0x40: {  	s0 =	sor.u32 s4, s0;
	s1 =	sshll.u32 s1, $0x11  }
0x41: {  	s0 =	sor.u32 s1, s0  }
0x42: {  	s0 =	sadd.s32 $0x8F2B, s0  }
0x43: {  	[sflag:s0] =	ssyncadd.remote.s32 $0x1  }
0x44: {  	_ =	sfence.sel $0xFFFF  }
0x45: {  	[dreg:$0x0] =	wrdreg $0xFFFFFFFF;
	(pc) =	sbr.abs _section_cstart, $3  }
0x46: {  	[dreg:$0x1] =	wrdreg $0xFFFFFFFF  }
0x47: {  	_ =	task.clear_ibuf [dreg:s23], $0x2FFFF;
	_ =	strace $0x9FFFFFFF  }
0x48: {  	(tm) =	ssettm $0x7FFFFFFF  }
0x49: {  	_ =	shalt  }
tec
execute0_lowered:
.L_overlay_start_1:
0x0: {  	(tag) =	ssettag $0x1  }
0x1: {  	s3 =	rddreg [dreg:$0x0];
	s1 =	stileid.u32  }
0x2: {  	s2 =	srdreg.scid;
	s0 =	rddreg [dreg:$0x1];
	_ =	strace $0x8000004D  }
0x3: {  	s6 =	simm.s32 $0x1;
	s8 =	simm.s32 $0x2;
	s18 =	simm.s32 $0x0  }
0x4: {  	p0 =	por $0x0, $0x0;
	s9 =	simm.s32 $0x400;
	s19 =	simm.s32 $0x0  }
0x5: {  	s17 =	simm.s32 $0x0;
	s10 =	simm.s32 $0x0;
	s11 =	simm.s32 $0x0  }
0x6: {  	s12 =	simm.s32 $0x0;
	s4 =	sshll.u32 s1, $0x4;
	s2 =	sshll.u32 s2, $0x8  }
.Ltmp0:
0x7: {  	s15 =	simm.s32 $0x0;
	s4 =	sor.u32 s4, s2;
	(pc) =	sbr.rel .LBB1_1-.Ltmp0, $4  }
0x8: {  	s16 =	simm.s32 $0x0;
	s5 =	sand.u32 $0x7, s1;
	s4 =	sand.u32 $0x180, s4  }
0x9: {  	[sflag:s6] =	ssyncpa.u1 $0x0;
	s2 =	sadd.s32 $0x3600, s3;
	s7 =	ssub.s32 $0x2700, s4  }
0xa: {  	s3 =	sadd.s32 $0x13F600, s3;
	[sflag:s8] =	ssyncpa.u1 $0x0;
	s7 =	sshrl.u32 s7, $0x9  }
0xb: {  	s14 =	smov.u32 s5;
	s13 =	smov.u32 s4;
	s8 =	sadd.s32 $0x2, s7  }
.LBB1_5:
0xc: {  	p1 =	slt.u32 s16, $0x2;
	s20 =	smov.u32 s19;
	s22 =	smov.u32 s18  }
0xd: {  	p2 =	sgt.s32 @!p1 s18, $0x2690;
	p3 =	sgt.s32 @!p1 s19, $0x7;
	s21 =	sshra.s32 @!p1 s19, $0x1F  }
0xe: {  	p3 =	por !p3, p1;
	s19 =	sand.u32 @!p1 s21, s19;
	s21 =	sshra.s32 @!p1 s18, $0x1F  }
0xf: {  	p2 =	por !p2, p1;
	s20 =	simm.s32 @p3 $0x7;
	s18 =	sand.u32 @!p1 s21, s18  }
0x10: {  	s22 =	simm.s32 @p2 $0x2690;
	s21 =	ssub.s32 @!p1 $0x0, s17;
	s19 =	ssub.s32 @!p1 s20, s19  }
0x11: {  	s18 =	ssub.s32 @!p1 s22, s18;
	s17 =	smin.u32 @!p1 s17, s21;
	s20 =	sadd.s32 @!p1 $0xFFFFFFF9, s19  }
0x12: {  	s21 =	smov.u32 s14;
	s19 =	ssub.s32 @!p1 $0x8, s19;
	p2 =	sgt.s32 @!p1 s20, $0x0  }
0x13: {  	p3 =	sgt.s32 @!p1 s17, $0x7F;
	s17 =	ssub.s32 @!p1 $0x80, s17;
	p2 =	por !p2, p1  }
0x14: {  	s20 =	sadd.s32 @!p1 $0xFFFFD970, s18;
	s19 =	simm.s32 @!p2 $0x0;
	p2 =	por !p3, p1  }
0x15: {  	s18 =	ssub.s32 @!p1 $0x2710, s18;
	p3 =	sgt.s32 @!p1 s20, $0x7F;
	s17 =	simm.s32 @!p2 $0x0  }
0x16: {  	s20 =	sadd.s32 $0x200, s13;
	p2 =	por !p3, p1;
	s17 =	smul.u32 @!p1 s17, s19  }
0x17: {  	s18 =	simm.s32 @!p2 $0x0;
	p2 =	sgt.s32 s20, $0x270F;
	s19 =	sadd.s32 $0x8, s14  }
0x18: {  	s22 =	smov.u32 s15;
	s21 =	smov.u32 @p2 s19  }
0x19: {  	s17 =	smul.u32 @!p1 s18, s17;
	p3 =	sgt.s32 s21, $0x7;
	s18 =	sadd.s32 $0x80, s15  }
0x1a: {  	p0 =	por !p0, !p0;
	s23 =	simm.s32 @!p1 $0x2;
	s22 =	smov.u32 @p3 s18  }
0x1b: {  	s20 =	smov.u32 @p2 s4;
	s19 =	smov.u32 s11;
	p2 =	sgt.s32 s22, $0x7F  }
0x1c: {  	s11 =	smov.u32 s14;
	s22 =	simm.s32 @p2 $0x0;
	p2 =	sne.s32 s16, s8  }
.Ltmp1:
0x1d: {  	s21 =	smov.u32 @p3 s5;
	s18 =	smov.u32 s10;
	(pc) =	sbr.rel @!p2 .LBB1_6-.Ltmp1, $4  }
0x1e: {  	s10 =	smov.u32 s13;
	s13 =	smov.u32 s20;
	s17 =	sand.u32 @!p1 $0x3FFFFFFF, s17  }
0x1f: {  	s14 =	smov.u32 s21;
	_ =	swait.ge @!p1 [sflag:s23], s17;
	s24 =	ssub.s32 @!p1 $0x0, s17  }
0x20: {  	s17 =	smov.u32 s12;
	s16 =	sadd.s32 $0x1, s16;
	[sflag:s23] =	ssyncset.done @!p1 $0x0  }
0x21: {  	s12 =	smov.u32 s15;
	s15 =	smov.u32 s22;
	[sflag:s23] =	ssyncadd.s32 @!p1 s24  }
.LBB1_1:
0x22: {  	p1 =	sgt.u32 s16, s7  }
0x23: {  	s20 =	sshrl.u32 @!p1 s14, $0x3  }
0x24: {  	s21 =	sshll.u32 @!p1 s13, $0x3;
	s20 =	smul.u32 @!p1 $0x13C00, s20  }
0x25: {  	s22 =	sshll.u32 @!p1 s14, $0x7;
	s21 =	sand.u32 @!p1 $0xFFFFFC00, s21  }
0x26: {  	s20 =	sadd.s32 @!p1 s20, s21;
	s21 =	sand.u32 @!p1 $0x380, s22  }
0x27: {  	s22 =	sand.u32 @!p1 $0x7F, s13;
	s20 =	sor.u32 @!p1 s21, s20  }
0x28: {  	s21 =	sor.u32 @!p1 s22, s20  }
0x29: {  	s22 =	smulhi.u32 @!p1 $0xCF6474A9, s21  }
0x2a: {  	s20 =	smulhi.u32 @!p1 $0xCF6474A9, s20  }
0x2b: {  	s22 =	sshrl.u32 @!p1 s22, $0xD  }
0x2c: {  	s20 =	sshrl.u32 @!p1 s20, $0xD;
	s22 =	smul.u32 @!p1 $0x2780, s22  }
0x2d: {  	s23 =	sxor.u32 @!p1 $0xFFFFFFFF, s16;
	s24 =	smul.u32 @!p1 $0x2780, s15;
	s20 =	sand.u32 @!p1 $0x7, s20  }
0x2e: {  	s23 =	sshll.u32 @!p1 s23, $0xE;
	s20 =	smul.u32 @!p1 $0x4F0, s20;
	s21 =	ssub.s32 @!p1 s21, s22  }
0x2f: {  	s22 =	sand.u32 @!p1 $0x4000, s23;
	s23 =	sadd.s32 @!p1 s2, s24;
	s24 =	sand.u32 @!p1 $0x7, s21  }
0x30: {  	s21 =	sshrl.u32 @!p1 s21, $0x3;
	s20 =	sadd.s32 @!p1 s20, s23;
	s23 =	sshll.u32 @!p1 s24, $0x12  }
0x31: {  	s20 =	sadd.s32 @!p1 s21, s20;
	s21 =	sor.u32 @!p1 $0x80, s23;
	s23 =	simm.s32 @!p1 $0x13C00  }
0x32: {  	[tilespmem:s22], [sflag:$0x1] =	stream.strided.gather @!p1 [hbm4b:s20+s21], $0x4000, s23, s21, $0x38;
	[tilespmem:$0x10100] =	vst v63  }
0x33: {  	p1 =	seq.s32 s16, $0x0  }
0x34: {  	p2 =	sge.u32 @!p1 s16, s8  }
0x35: {  	p1 =	por p1, p2  }
.Ltmp2:
0x36: {  	_ = 	snop;
	(pc) =	sbr.rel @p1 .LBB1_5-.Ltmp2, $1  }
0x37: {  	_ =	sdelay $0x3  }
0x38: {  	s20 =	simm.s32 $0x1  }
0x39: {  	_ =	swait.ge [sflag:s6], $0x4000;
	s20 =	simm.s32 @!p0 $0x0  }
0x3a: {  	[sflag:s6] =	ssyncset.done $0x0;
	s21 =	sshll.u32 s20, $0xE  }
0x3b: {  	[sflag:s6] =	ssyncadd.s32 $0xFFFFC000;
	s21 =	sor.u32 $0x40, s21  }
0x3c: {  	s20 =	smul.u32 $0x10200, s20;
	v0 =	vld [tilespmem:s21+$0x30]  }
0x3d: {  	v1 =	vld [tilespmem:s21+$0xFFFFFFD0]  }
0x3e: {  	s20 =	sshrl.u32 s20, $0x2;
	v5 =	vld [tilespmem:s21+$0xFFFFFFE0]  }
0x3f: {  	v6 =	vld [tilespmem:s21+$0xFFFFFFF0];
	s23 =	sor.u32 $0x8000, s20  }
0x40: {  	s31 =	sand.u32 $0x1, s16;
	v4 =	vld [tilespmem:s21+$0x0];
	s22 =	sadd.s32 $0x0, s23  }
0x41: {  	v3 =	vld [tilespmem:s21+$0x10];
	s20 =	smul.u32 $0x10200, s31;
	[tilespmem:s22+$0x3870 ss:$0x81] =	vst.msk $0xffff, v0  }
0x42: {  	v2 =	vld [tilespmem:s21+$0x20];
	[tilespmem:s22+$0x810 ss:$0x81] =	vst.msk $0xffff, v1  }
0x43: {  	s20 =	sshrl.u32 s20, $0x2;
	v1 =	vld [tilespmem:s21+$0xFFFFFFC0];
	[tilespmem:s22+$0x1020 ss:$0x81] =	vst.msk $0xffff, v5;
	s21 =	sadd.s32 $0x80, s21  }
0x44: {  	s24 =	simm.s32 $0x4;
	s25 =	simm.s32 $0x8;
	s20 =	sor.u32 $0x8000, s20;
	[tilespmem:s22+$0x1830 ss:$0x81] =	vst.msk $0xffff, v6;
	v0 =	vld [tilespmem:s21+$0x30]  }
.LBB1_3:
0x45: {  	p1 =	sne.s32 s25, $0x1FC;
	v5 =	vld [tilespmem:s21+$0xFFFFFFD0];
	[tilespmem:s22+$0x2040 ss:$0x81] =	vst.msk $0xffff, v4  }
0x46: {  	v6 =	vld [tilespmem:s21+$0xFFFFFFE0];
	[tilespmem:s22+$0x2850 ss:$0x81] =	vst.msk $0xffff, v3  }
0x47: {  	s26 =	sshra.s32 s24, $0x2;
	s24 =	smov.u32 s25;
	v7 =	vld [tilespmem:s21+$0xFFFFFFF0];
	[tilespmem:s22+$0x3060 ss:$0x81] =	vst.msk $0xffff, v2  }
.Ltmp3:
0x48: {  	v4 =	vld [tilespmem:s21+$0x0];
	[tilespmem:s22+$0x0 ss:$0x81] =	vst.msk $0xffff, v1;
	s22 =	sadd.s32 s26, s23;
	(pc) =	sbr.rel @p1 .LBB1_3-.Ltmp3, $4  }
0x49: {  	v3 =	vld [tilespmem:s21+$0x10];
	[tilespmem:s22+$0x3870 ss:$0x81] =	vst.msk $0xffff, v0  }
0x4a: {  	[tilespmem:s22+$0x810 ss:$0x81] =	vst.msk $0xffff, v5;
	v2 =	vld [tilespmem:s21+$0x20]  }
0x4b: {  	v1 =	vld [tilespmem:s21+$0xFFFFFFC0];
	[tilespmem:s22+$0x1020 ss:$0x81] =	vst.msk $0xffff, v6;
	s21 =	sadd.s32 $0x80, s21  }
0x4c: {  	s25 =	sadd.s32 $0x4, s25;
	v0 =	vld [tilespmem:s21+$0x30];
	[tilespmem:s22+$0x1830 ss:$0x81] =	vst.msk $0xffff, v7  }
0x4d: {  	s24 =	sshra.s32 s24, $0x2;
	p1 =	sgt.s32 s11, $0x7;
	s25 =	sshra.s32 s11, $0x1F  }
0x4e: {  	p2 =	sgt.s32 s10, $0x2690;
	s26 =	smov.u32 s10;
	s27 =	sshra.s32 s10, $0x1F  }
0x4f: {  	v5 =	vld [tilespmem:s21+$0xFFFFFFD0];
	[tilespmem:s22+$0x2040 ss:$0x81] =	vst.msk $0xffff, v4;
	s28 =	ssub.s32 $0x0, s12;
	s23 =	sadd.s32 s24, s23;
	s24 =	smov.u32 s11  }
0x50: {  	v58 =	vld [tilespmem:s21+$0xFFFFFFE0];
	s25 =	sand.u32 s25, s11;
	[tilespmem:s22+$0x2850 ss:$0x81] =	vst.msk $0xffff, v3;
	s26 =	simm.s32 @!p2 $0x2690;
	s31 =	sand.u32 s27, s10  }
0x51: {  	v59 =	vld [tilespmem:s21+$0xFFFFFFF0];
	s27 =	sshrl.u32 s12, $0x3;
	s24 =	simm.s32 @!p1 $0x7;
	[tilespmem:s22+$0x3060 ss:$0x81] =	vst.msk $0xffff, v2;
	s30 =	ssub.s32 s26, s31  }
0x52: {  	v60 =	vld [tilespmem:s21+$0x0];
	s31 =	smin.u32 s12, s28;
	s28 =	sshll.u32 s11, $0x4;
	s24 =	ssub.s32 s24, s25;
	[tilespmem:s22+$0x0 ss:$0x81] =	vst.msk $0xffff, v1  }
0x53: {  	v61 =	vld [tilespmem:s21+$0x10];
	p2 =	sgt.s32 s31, $0x7F;
	s25 =	ssub.s32 $0x80, s31;
	s29 =	sadd.s32 $0xFFFFFFF9, s24;
	[tilespmem:s23+$0x3870 ss:$0x81] =	vst.msk $0xffff, v0  }
0x54: {  	v62 =	vld [tilespmem:s21+$0x20];
	s26 =	sadd.s32 $0xFFFFD970, s30;
	s24 =	ssub.s32 $0x8, s24;
	p1 =	sgt.s32 s29, $0x0;
	[tilespmem:s23+$0x810 ss:$0x81] =	vst.msk $0xffff, v5  }
0x55: {  	v63 =	vld [tilespmem:s21+$0xFFFFFFC0];
	s21 =	ssub.s32 $0x2710, s30;
	s25 =	simm.s32 @p2 $0x0;
	[tilespmem:s23+$0x1020 ss:$0x81] =	vst.msk $0xffff, v58;
	s24 =	simm.s32 @p1 $0x0  }
0x56: {  	s22 =	sand.u32 $0x70, s28;
	[tilespmem:s23+$0x1830 ss:$0x81] =	vst.msk $0xffff, v59;
	p1 =	sgt.s32 s26, $0x7F;
	s26 =	smul.u32 s25, s24  }
.Ltmp4:
0x57: {  	[tilespmem:s23+$0x2040 ss:$0x81] =	vst.msk $0xffff, v60;
	s21 =	simm.s32 @p1 $0x0;
	s24 =	sand.u32 $0xF, s27;
	(pc) =	sbr.rel .LBB1_5-.Ltmp4, $4  }
0x58: {  	[tilespmem:s23+$0x2850 ss:$0x81] =	vst.msk $0xffff, v61;
	s29 =	sand.u32 $0x7, s12;
	s24 =	sadd.s32 s3, s24;
	s21 =	smul.u32 s21, s26  }
0x59: {  	s30 =	sshll.u32 s10, $0x7;
	[tilespmem:s23+$0x3060 ss:$0x81] =	vst.msk $0xffff, v62;
	s25 =	sshll.u32 s29, $0x12;
	s22 =	sadd.s32 s22, s24  }
0x5a: {  	[tilespmem:s23+$0x0 ss:$0x81] =	vst.msk $0xffff, v63;
	s31 =	sor.u32 $0x80, s25;
	s22 =	sadd.s32 s30, s22;
	s21 =	sand.u32 $0x3FFFFFFF, s21  }
0x5b: {  	[hbm4b:s22+s31] =	stream.strided.scatter [tilespmem:s20], [sflag:$0x2], s21, s9, s31, $0x20;
	[tilespmem:$0x10100] =	vst v63  }
.LBB1_6:
0x5c: {  	_ =	sfence.sel $0x180000  }
0x5d: {  	s2 =	simm.s32 $0x1;
	[bflag:$0x0] =	sbarrier.arrive $0xFFFF  }
0x5e: {  	s31 =	simm.s32 $0x2;
	[sflag:s2] =	ssyncpa.u1 $0x1  }
0x5f: {  	[sflag:s31] =	ssyncpa.u1 $0x1  }
0x60: {  	p0 =	sne.s32 s1, $0x0;
	_ =	strace $0x9000004D  }
0x61: {  	s0 =	sadd.s32 @!p0 $0x100000, s0;
	[bflag:$0x2] =	sbarrier.arrive $0xFFFF  }
0x62: {  	[sflag:s0] =	ssyncadd.tile.s32 @!p0 $0x1;
	_ =	shalt  }
.Lfunc_end1:
_tile_overlayer_lowered:
.L_overlay_start_2:
0x63: {  	(tag) =	ssettag $0x2  }
0x64: {  	s0 =	rddreg [dreg:$0x0];
	s2 =	stileid.u32  }
0x65: {  	s1 =	rddreg [dreg:$0x1];
	p0 =	sne.s32 s2, $0x0  }
0x66: {  	s3 =	rddreg [dreg:$0x2];
	[bflag:$0x3] =	sbarrier.arrive $0xFFFF;
	s2 =	simm.s32 @!p0 $0x1C01  }
0x67: {  	[timem:s3], [sflag:s2] =	dma.local @!p0 [hbm:s0], s1  }
0x68: {  	s0 =	simm.s32 @!p0 $0x1  }
0x69: {  	_ =	swait.ge @!p0 [sflag:s0], s1  }
0x6a: {  	s1 =	ssub.s32 @!p0 $0x0, s1;
	[sflag:s0] =	ssyncset.done @!p0 $0x0  }
0x6b: {  	[sflag:s0] =	ssyncadd.s32 @!p0 s1  }
0x6c: {  	[bflag:$0x3] =	sbarrier.arrive $0xFFFF  }
0x6d: {  	_ =	shalt  }

</sc_bundles>
